<compile_context>
chip_gen: v7x
topology: tpu7x:2x2x1
jax: 0.10.2.dev20260603
libtpu: 0.0.44.dev20260713+nightly
codegen_flags: <defaults>
</compile_context>

<pallas_src>
import functools

import jax
import jax.numpy as jnp
from jax import lax
from jax.experimental import pallas as pl
from jax.experimental.pallas import tpu as pltpu
from jax.experimental.pallas import tpu_sc as plsc


def _pack_halves(y):
    bits = lax.bitcast_convert_type(y, jnp.int32)
    H = y.shape[1] // 2
    return lax.shift_right_logical(bits[:, :H], 16) | bits[:, H:]


def _unpack_halves(p):
    a = lax.bitcast_convert_type(p << 16, jnp.float32)
    b = lax.bitcast_convert_type(p & jnp.int32(-65536), jnp.float32)
    return a, b


def _sc_gather(table, idx, chunk=64, nbuf=3):
    B = idx.shape[0]
    D = table.shape[1]
    info = plsc.get_sparse_core_info()
    NC, NS = info.num_cores, info.num_subcores
    NW = NC * NS
    bpw = B // NW
    nch = bpw // chunk
    nbuf = min(nbuf, nch)
    idx3 = idx.reshape(NW, nch, chunk)

    scratch = [pltpu.VMEM((nch, chunk), jnp.int32)]
    scratch += [pltpu.VMEM((chunk, D), table.dtype) for _ in range(nbuf)]
    scratch += [pltpu.SemaphoreType.DMA for _ in range(2 * nbuf)]

    @functools.partial(
        pl.kernel,
        mesh=plsc.VectorSubcoreMesh(core_axis_name="c", subcore_axis_name="s"),
        out_type=jax.ShapeDtypeStruct((B, D), table.dtype),
        scratch_types=scratch,
    )
    def k(table_h, idx_h, out_h, idx_v, *rest):
        bufs = rest[:nbuf]
        gsem = rest[nbuf:2 * nbuf]
        osem = rest[2 * nbuf:3 * nbuf]
        wid = lax.axis_index("s") * NC + lax.axis_index("c")
        base = wid * bpw
        pltpu.sync_copy(idx_h.at[wid], idx_v)
        in_fl = {}
        out_fl = {}
        for b in range(nbuf):
            in_fl[b] = pltpu.async_copy(table_h.at[idx_v.at[b]], bufs[b], gsem[b])
        for i in range(nch):
            b = i % nbuf
            in_fl[b].wait()
            out_fl[b] = pltpu.async_copy(
                bufs[b], out_h.at[pl.ds(base + i * chunk, chunk)], osem[b])
            if i + nbuf < nch:
                out_fl[b].wait()
                in_fl[b] = pltpu.async_copy(
                    table_h.at[idx_v.at[i + nbuf]], bufs[b], gsem[b])
        for b in range(nbuf):
            out_fl[b].wait()

    return k(table, idx3)


def _group_onehot(NG, K, G):
    gidx = lax.broadcasted_iota(jnp.int32, (NG, K), 0)
    lidx = lax.broadcasted_iota(jnp.int32, (NG, K), 1)
    return (lidx // G == gidx).astype(jnp.float32)


def _deq_pack_body(x_ref, is_ref, o_ref, *, G):
    B, K = x_ref.shape
    NG = K // G
    srep = jnp.dot(is_ref[...], _group_onehot(NG, K, G),
                   preferred_element_type=jnp.float32)
    xq = (x_ref[...].astype(jnp.float32) * srep)
    o_ref[...] = _pack_halves(xq.astype(jnp.bfloat16).astype(jnp.float32))


def _dequant_pack(x, is_, G):
    T, K = x.shape
    NG = K // G
    B = 1024
    return pl.pallas_call(
        functools.partial(_deq_pack_body, G=G),
        grid=(T // B,),
        in_specs=[
            pl.BlockSpec((B, K), lambda i: (i, 0)),
            pl.BlockSpec((B, NG), lambda i: (i, 0)),
        ],
        out_specs=pl.BlockSpec((B, K // 2), lambda i: (i, 0)),
        out_shape=jax.ShapeDtypeStruct((T, K // 2), jnp.int32),
        compiler_params=pltpu.CompilerParams(
            dimension_semantics=("arbitrary",)),
    )(x, is_)


def _gemm_body(xp_ref, w_ref, ws_ref, b_ref, o_ref, *, G):
    EB, K, NB = w_ref.shape
    NG = K // G
    C = xp_ref.shape[0] // EB
    for i in range(EB):
        xa, xb = _unpack_halves(xp_ref[i * C:(i + 1) * C, :])
        x = jnp.concatenate([xa, xb], axis=1).astype(jnp.bfloat16)
        ws = ws_ref[i]
        wsrep = jnp.broadcast_to(ws[:, None, :], (NG, G, NB)).reshape(K, NB)
        wq = (w_ref[i].astype(jnp.float32) * wsrep).astype(jnp.bfloat16)
        acc = jnp.dot(x, wq, preferred_element_type=jnp.float32)
        y = (acc + b_ref[i]).astype(jnp.bfloat16).astype(jnp.float32)
        o_ref[i * C:(i + 1) * C, :] = _pack_halves(y)


def _grouped_gemm(xp, weight, weight_scale, bias, C, G):
    E, K, N = weight.shape
    NG = K // G
    ne = xp.shape[0] // C
    EB = 2
    return pl.pallas_call(
        functools.partial(_gemm_body, G=G),
        grid=(ne // EB,),
        in_specs=[
            pl.BlockSpec((EB * C, K // 2), lambda e: (e, 0)),
            pl.BlockSpec((EB, K, N), lambda e: (e, 0, 0)),
            pl.BlockSpec((EB, NG, N), lambda e: (e, 0, 0)),
            pl.BlockSpec((EB, 1, N), lambda e: (e, 0, 0)),
        ],
        out_specs=pl.BlockSpec((EB * C, N // 2), lambda e: (e, 0)),
        out_shape=jax.ShapeDtypeStruct((E * C, N // 2), jnp.int32),
        compiler_params=pltpu.CompilerParams(
            dimension_semantics=("arbitrary",)),
    )(xp, weight, weight_scale, bias.reshape(E, 1, N))


def _combine_body(y_ref, g_ref, sh_ref, rsf_ref, o_ref):
    N = o_ref.shape[1]
    H = N // 2
    g = g_ref[...]
    rsf = rsf_ref[0, 0]
    s = jnp.maximum(g[:, 0:1] + g[:, 1:2], 1e-12)
    w = g * (rsf / s)
    p = y_ref[...]
    y0a, y0b = _unpack_halves(p[:, :H])
    y1a, y1b = _unpack_halves(p[:, H:])
    w0, w1 = w[:, 0:1], w[:, 1:2]
    sh = sh_ref[...]
    oa = w0 * y0a + w1 * y1a + sh[:, :H]
    ob = w0 * y0b + w1 * y1b + sh[:, H:]
    o_ref[...] = jnp.concatenate([oa, ob], axis=1).astype(jnp.bfloat16)


def _combine(yp2, gates, shared, rsf):
    T, N = yp2.shape
    B = 1024
    return pl.pallas_call(
        _combine_body,
        grid=(T // B,),
        in_specs=[
            pl.BlockSpec((B, N), lambda i: (i, 0)),
            pl.BlockSpec((B, 2), lambda i: (i, 0)),
            pl.BlockSpec((B, N), lambda i: (i, 0)),
            pl.BlockSpec((1, 1), lambda i: (0, 0)),
        ],
        out_specs=pl.BlockSpec((B, N), lambda i: (i, 0)),
        out_shape=jax.ShapeDtypeStruct((T, N), jnp.bfloat16),
        compiler_params=pltpu.CompilerParams(
            dimension_semantics=("arbitrary",)),
    )(yp2, gates, shared, rsf)


def kernel(input, weight, top_k_gates, token_indices, src_to_dst, token_count,
           shared_output, weight_scale, input_scale, bias,
           routed_scaling_factor):
    T, K = input.shape
    E, _, N = weight.shape
    total = token_indices.shape[0]
    C = total // E
    G = K // input_scale.shape[1]
    xp = _dequant_pack(input, input_scale, G)
    xdp = _sc_gather(xp, token_indices)
    yp = _grouped_gemm(xdp, weight, weight_scale, bias, C, G)
    ysp = _sc_gather(yp, src_to_dst.reshape(-1))
    rsf = jnp.asarray(routed_scaling_factor, jnp.float32).reshape(1, 1)
    return _combine(ysp.reshape(T, N), top_k_gates, shared_output, rsf)

# --- scband reference (transcript-rebuilt; emitter-appended) ---
"""Pipeline reference for scband-ixformer-group-quant-gemm-combine-mo-e-80908593922369 (READ-ONLY COPY).

The authoritative reference and input builder live on the scoring server;
editing this copy changes nothing except your own understanding.
"""

import jax, jax.numpy as jnp
import numpy as np

NUM_TOKENS = 4096
TOP_K = 2
E = 64
K = 1024
N = 1024
G = 8  # quant_block_size


def setup_inputs(seed: int = 0) -> dict:
    key = jax.random.key(seed)
    ks = jax.random.split(key, 8)
    total = NUM_TOKENS * TOP_K
    inp = jax.random.randint(ks[0], (NUM_TOKENS, K), -127, 128, dtype=jnp.int32)
    weight = jax.random.randint(ks[1], (E, K, N), -127, 128, dtype=jnp.int32)
    top_k_gates = jax.random.uniform(ks[2], (NUM_TOKENS, TOP_K), dtype=jnp.float32, minval=0.05, maxval=1.0)
    # Balanced routing: every expert receives exactly total // E dispatched slots,
    # matching the grouped-GEMM layout the ixf kernel consumes (dst rows sorted by expert).
    rng = np.random.default_rng(0)
    expert_flat = rng.permutation(total) % E  # expert id per src slot (t * TOP_K + k)
    order = np.argsort(expert_flat, kind='stable')  # dst -> src slot
    token_indices = jnp.asarray(order // TOP_K, dtype=jnp.int32)  # dst -> src token row
    inv = np.empty(total, dtype=np.int64)
    inv[order] = np.arange(total)
    src_to_dst = jnp.asarray(inv.reshape(NUM_TOKENS, TOP_K), dtype=jnp.int32)
    token_count = jnp.asarray(np.bincount(expert_flat, minlength=E), dtype=jnp.int32)
    shared_output = jax.random.normal(ks[3], (NUM_TOKENS, N), dtype=jnp.float32)
    weight_scale = jax.random.uniform(ks[4], (E, K // G, N), dtype=jnp.float32, minval=0.001, maxval=0.02)
    input_scale = jax.random.uniform(ks[5], (NUM_TOKENS, K // G), dtype=jnp.float32, minval=0.001, maxval=0.02)
    bias = jax.random.normal(ks[6], (E, N), dtype=jnp.float32) * 0.01
    return {
        'input': inp,
        'weight': weight,
        'top_k_gates': top_k_gates,
        'token_indices': token_indices,
        'src_to_dst': src_to_dst,
        'token_count': token_count,
        'shared_output': shared_output,
        'weight_scale': weight_scale,
        'input_scale': input_scale,
        'bias': bias,
        'routed_scaling_factor': jnp.asarray(1.0, dtype=jnp.float32),
    }


def reference(input, weight, top_k_gates, token_indices, src_to_dst, token_count,
              shared_output, weight_scale, input_scale, bias, routed_scaling_factor=1.0):
    E_, K_, N_ = weight.shape  # 'NN' format (trans_weight=False): [E, K, N]
    T, top_k = top_k_gates.shape
    total = T * top_k
    # --- w8a8 group dequant (group size G along K) ---
    x = input.astype(jnp.float32) * jnp.repeat(input_scale, G, axis=1)          # [T, K]
    W = weight.astype(jnp.float32) * jnp.repeat(weight_scale, G, axis=1)        # [E, K, N]
    # --- grouped GEMM over expert-sorted dst rows (dst_to_src gather) ---
    x_dst = jnp.take(x, token_indices, axis=0)                                  # [total, K]
    C = total // E_  # balanced capacity per expert (token_count is uniform by construction)
    y = jnp.einsum('eck,ekn->ecn', x_dst.reshape(E_, C, K_), W) + bias[:, None, :]
    y = y.astype(jnp.bfloat16)  # quant_gemm_output dtype
    # --- combine (moe_output_reduce_sum) ---
    gates = top_k_gates / jnp.clip(jnp.sum(top_k_gates, axis=-1, keepdims=True), 1e-12)  # normalize_top_k_gates
    s2d = src_to_dst.reshape(-1)
    reduce_mask = s2d == -1
    y_flat = y.reshape(total, N_).astype(jnp.float32)
    out = jnp.where(reduce_mask[:, None], 0.0, jnp.take(y_flat, jnp.clip(s2d, 0), axis=0))
    out = out.reshape(T, top_k, N_)
    combined = routed_scaling_factor * jnp.sum(gates[..., None] * out, axis=1) + shared_output
    return combined.astype(jnp.bfloat16)

if __name__ == "__main__":
    import jax
    _d = setup_inputs()
    print(jax.jit(kernel)(*tuple(_d.values())))

</pallas_src>

<mosaic_0001>
#map = affine_map<(d0, d1) -> (0, 0)>
#map1 = affine_map<(d0, d1) -> (0, 0, 0)>
module attributes {stable_mosaic.version = 14 : i64} {
  func.func @k(%arg0: i32, %arg1: i32, %arg2: memref<4096x512xi32, #tpu.memory_space<hbm>>, %arg3: memref<32x4x64xi32, #tpu.memory_space<hbm>>, %arg4: memref<8192x512xi32, #tpu.memory_space<hbm>>, %arg5: memref<4x64xi32, #tpu.memory_space<vmem>>, %arg6: memref<64x512xi32, #tpu.memory_space<vmem>>, %arg7: memref<64x512xi32, #tpu.memory_space<vmem>>, %arg8: memref<64x512xi32, #tpu.memory_space<vmem>>, %arg9: memref<!tpu.dma_semaphore, #tpu.memory_space<semaphore_mem>>, %arg10: memref<!tpu.dma_semaphore, #tpu.memory_space<semaphore_mem>>, %arg11: memref<!tpu.dma_semaphore, #tpu.memory_space<semaphore_mem>>, %arg12: memref<!tpu.dma_semaphore, #tpu.memory_space<semaphore_mem>>, %arg13: memref<!tpu.dma_semaphore, #tpu.memory_space<semaphore_mem>>, %arg14: memref<!tpu.dma_semaphore, #tpu.memory_space<semaphore_mem>>) attributes {dimension_semantics = [#tpu.dimension_semantics<core_parallel>, #tpu.dimension_semantics<subcore_parallel>], iteration_bounds = array<i64: 2, 16>, scalar_prefetch = 0 : i64, scratch_operands = 10 : i64, tpu.core_type = #tpu.core_type<sc_vector_subcore>, window_params = [{transform_indices = #map}, {transform_indices = #map1}, {transform_indices = #map}]} {
    %mul3A = arith.constant 2 : i32
    %mul3A_0 = arith.muli %arg1, %mul3A : i32
    %add3A = arith.addi %mul3A_0, %arg0 : i32
    %mul3A_1 = arith.constant 256 : i32
    %mul3A_2 = arith.muli %add3A, %mul3A_1 : i32
    "tpu.region"() ({
      %run_scoped3A = tpu.sem_alloc : memref<!tpu.dma_semaphore, #tpu.memory_space<semaphore_mem>>
      %dma_start3A_97 = arith.constant 0 : i32
      %dma_start3A_98 = arith.constant 0 : i32
      %dma_start3A_99 = tpu.memref_slice %arg3[%add3A, %dma_start3A_97, %dma_start3A_98] : memref<32x4x64xi32, #tpu.memory_space<hbm>> -> memref<1x4x64xi32, #tpu.memory_space<hbm>>
      %dma_start3A_100 = tpu.memref_squeeze %dma_start3A_99 : memref<1x4x64xi32, #tpu.memory_space<hbm>> -> memref<4x64xi32, #tpu.memory_space<hbm>>
      %dma_start3A_101 = arith.constant 0 : i32
      %dma_start3A_102 = arith.constant 0 : i32
      %dma_start3A_103 = tpu.memref_slice %arg3[%add3A, %dma_start3A_101, %dma_start3A_102] : memref<32x4x64xi32, #tpu.memory_space<hbm>> -> memref<1x4x64xi32, #tpu.memory_space<hbm>>
      %dma_start3A_104 = tpu.memref_squeeze %dma_start3A_103 : memref<1x4x64xi32, #tpu.memory_space<hbm>> -> memref<4x64xi32, #tpu.memory_space<hbm>>
      tpu.enqueue_dma source(%dma_start3A_104 : memref<4x64xi32, #tpu.memory_space<hbm>>) target(%arg5 : memref<4x64xi32, #tpu.memory_space<vmem>>) target_semaphore(%run_scoped3A : memref<!tpu.dma_semaphore, #tpu.memory_space<semaphore_mem>>)
      %dma_wait3A_105 = arith.constant 0 : i32
      %dma_wait3A_106 = arith.constant 0 : i32
      %dma_wait3A_107 = tpu.memref_slice %arg3[%add3A, %dma_wait3A_105, %dma_wait3A_106] : memref<32x4x64xi32, #tpu.memory_space<hbm>> -> memref<1x4x64xi32, #tpu.memory_space<hbm>>
      %dma_wait3A_108 = tpu.memref_squeeze %dma_wait3A_107 : memref<1x4x64xi32, #tpu.memory_space<hbm>> -> memref<4x64xi32, #tpu.memory_space<hbm>>
      %dma_wait3A_109 = arith.constant 0 : i32
      %dma_wait3A_110 = arith.constant 0 : i32
      %dma_wait3A_111 = tpu.memref_slice %arg3[%add3A, %dma_wait3A_109, %dma_wait3A_110] : memref<32x4x64xi32, #tpu.memory_space<hbm>> -> memref<1x4x64xi32, #tpu.memory_space<hbm>>
      %dma_wait3A_112 = tpu.memref_squeeze %dma_wait3A_111 : memref<1x4x64xi32, #tpu.memory_space<hbm>> -> memref<4x64xi32, #tpu.memory_space<hbm>>
      tpu.wait_dma2 semaphore(%run_scoped3A : memref<!tpu.dma_semaphore, #tpu.memory_space<semaphore_mem>>) src(%dma_wait3A_112 : memref<4x64xi32, #tpu.memory_space<hbm>>) dst(%arg5 : memref<4x64xi32, #tpu.memory_space<vmem>>)
      tpu.yield
    }) : () -> ()
    %dma_start3A = arith.constant 0 : i32
    %dma_start3A_3 = arith.constant 0 : i32
    %dma_start3A_4 = tpu.memref_slice %arg5[%dma_start3A, %dma_start3A_3] : memref<4x64xi32, #tpu.memory_space<vmem>> -> memref<1x64xi32, #tpu.memory_space<vmem>>
    %dma_start3A_5 = tpu.memref_squeeze %dma_start3A_4 : memref<1x64xi32, #tpu.memory_space<vmem>> -> memref<64xi32, #tpu.memory_space<vmem>>
    %dma_start3A_6 = arith.constant 0 : i32
    %dma_start3A_7 = arith.constant 0 : i32
    %dma_start3A_8 = tpu.memref_slice %arg2[%dma_start3A_6, %dma_start3A_7] : memref<4096x512xi32, #tpu.memory_space<hbm>> -> memref<4096x512xi32, #tpu.memory_space<hbm>>
    tpu.enqueue_indirect_dma source(%dma_start3A_8 : memref<4096x512xi32, #tpu.memory_space<hbm>>) target(%arg6 : memref<64x512xi32, #tpu.memory_space<vmem>>) offsets(%dma_start3A_5 : memref<64xi32, #tpu.memory_space<vmem>>) semaphore(%arg9 : memref<!tpu.dma_semaphore, #tpu.memory_space<semaphore_mem>>)
    %dma_start3A_9 = arith.constant 1 : i32
    %dma_start3A_10 = arith.constant 0 : i32
    %dma_start3A_11 = tpu.memref_slice %arg5[%dma_start3A_9, %dma_start3A_10] : memref<4x64xi32, #tpu.memory_space<vmem>> -> memref<1x64xi32, #tpu.memory_space<vmem>>
    %dma_start3A_12 = tpu.memref_squeeze %dma_start3A_11 : memref<1x64xi32, #tpu.memory_space<vmem>> -> memref<64xi32, #tpu.memory_space<vmem>>
    %dma_start3A_13 = arith.constant 0 : i32
    %dma_start3A_14 = arith.constant 0 : i32
    %dma_start3A_15 = tpu.memref_slice %arg2[%dma_start3A_13, %dma_start3A_14] : memref<4096x512xi32, #tpu.memory_space<hbm>> -> memref<4096x512xi32, #tpu.memory_space<hbm>>
    tpu.enqueue_indirect_dma source(%dma_start3A_15 : memref<4096x512xi32, #tpu.memory_space<hbm>>) target(%arg7 : memref<64x512xi32, #tpu.memory_space<vmem>>) offsets(%dma_start3A_12 : memref<64xi32, #tpu.memory_space<vmem>>) semaphore(%arg10 : memref<!tpu.dma_semaphore, #tpu.memory_space<semaphore_mem>>)
    %dma_start3A_16 = arith.constant 2 : i32
    %dma_start3A_17 = arith.constant 0 : i32
    %dma_start3A_18 = tpu.memref_slice %arg5[%dma_start3A_16, %dma_start3A_17] : memref<4x64xi32, #tpu.memory_space<vmem>> -> memref<1x64xi32, #tpu.memory_space<vmem>>
    %dma_start3A_19 = tpu.memref_squeeze %dma_start3A_18 : memref<1x64xi32, #tpu.memory_space<vmem>> -> memref<64xi32, #tpu.memory_space<vmem>>
    %dma_start3A_20 = arith.constant 0 : i32
    %dma_start3A_21 = arith.constant 0 : i32
    %dma_start3A_22 = tpu.memref_slice %arg2[%dma_start3A_20, %dma_start3A_21] : memref<4096x512xi32, #tpu.memory_space<hbm>> -> memref<4096x512xi32, #tpu.memory_space<hbm>>
    tpu.enqueue_indirect_dma source(%dma_start3A_22 : memref<4096x512xi32, #tpu.memory_space<hbm>>) target(%arg8 : memref<64x512xi32, #tpu.memory_space<vmem>>) offsets(%dma_start3A_19 : memref<64xi32, #tpu.memory_space<vmem>>) semaphore(%arg11 : memref<!tpu.dma_semaphore, #tpu.memory_space<semaphore_mem>>)
    %dma_wait3A = arith.constant 0 : i32
    %dma_wait3A_23 = arith.constant 0 : i32
    %dma_wait3A_24 = tpu.memref_slice %arg5[%dma_wait3A, %dma_wait3A_23] : memref<4x64xi32, #tpu.memory_space<vmem>> -> memref<1x64xi32, #tpu.memory_space<vmem>>
    %dma_wait3A_25 = tpu.memref_squeeze %dma_wait3A_24 : memref<1x64xi32, #tpu.memory_space<vmem>> -> memref<64xi32, #tpu.memory_space<vmem>>
    %dma_wait3A_26 = arith.constant 0 : i32
    %dma_wait3A_27 = arith.constant 0 : i32
    %dma_wait3A_28 = tpu.memref_slice %arg2[%dma_wait3A_26, %dma_wait3A_27] : memref<4096x512xi32, #tpu.memory_space<hbm>> -> memref<4096x512xi32, #tpu.memory_space<hbm>>
    tpu.wait_indirect_dma semaphore(%arg9 : memref<!tpu.dma_semaphore, #tpu.memory_space<semaphore_mem>>) src(%dma_wait3A_28 : memref<4096x512xi32, #tpu.memory_space<hbm>>) dst(%arg6 : memref<64x512xi32, #tpu.memory_space<vmem>>)
    %add3A_29 = arith.constant 0 : i32
    %add3A_30 = arith.addi %mul3A_2, %add3A_29 : i32
    %dma_start3A_31 = arith.constant 0 : i32
    %dma_start3A_32 = tpu.memref_slice %arg4[%add3A_30, %dma_start3A_31] : memref<8192x512xi32, #tpu.memory_space<hbm>> -> memref<64x512xi32, #tpu.memory_space<hbm>>
    %dma_start3A_33 = arith.constant 0 : i32
    %dma_start3A_34 = tpu.memref_slice %arg4[%add3A_30, %dma_start3A_33] : memref<8192x512xi32, #tpu.memory_space<hbm>> -> memref<64x512xi32, #tpu.memory_space<hbm>>
    tpu.enqueue_dma source(%arg6 : memref<64x512xi32, #tpu.memory_space<vmem>>) target(%dma_start3A_34 : memref<64x512xi32, #tpu.memory_space<hbm>>) target_semaphore(%arg12 : memref<!tpu.dma_semaphore, #tpu.memory_space<semaphore_mem>>)
    %dma_wait3A_35 = arith.constant 0 : i32
    %dma_wait3A_36 = tpu.memref_slice %arg4[%add3A_30, %dma_wait3A_35] : memref<8192x512xi32, #tpu.memory_space<hbm>> -> memref<64x512xi32, #tpu.memory_space<hbm>>
    %dma_wait3A_37 = arith.constant 0 : i32
    %dma_wait3A_38 = tpu.memref_slice %arg4[%add3A_30, %dma_wait3A_37] : memref<8192x512xi32, #tpu.memory_space<hbm>> -> memref<64x512xi32, #tpu.memory_space<hbm>>
    tpu.wait_dma2 semaphore(%arg12 : memref<!tpu.dma_semaphore, #tpu.memory_space<semaphore_mem>>) src(%arg6 : memref<64x512xi32, #tpu.memory_space<vmem>>) dst(%dma_wait3A_38 : memref<64x512xi32, #tpu.memory_space<hbm>>)
    %dma_start3A_39 = arith.constant 3 : i32
    %dma_start3A_40 = arith.constant 0 : i32
    %dma_start3A_41 = tpu.memref_slice %arg5[%dma_start3A_39, %dma_start3A_40] : memref<4x64xi32, #tpu.memory_space<vmem>> -> memref<1x64xi32, #tpu.memory_space<vmem>>
    %dma_start3A_42 = tpu.memref_squeeze %dma_start3A_41 : memref<1x64xi32, #tpu.memory_space<vmem>> -> memref<64xi32, #tpu.memory_space<vmem>>
    %dma_start3A_43 = arith.constant 0 : i32
    %dma_start3A_44 = arith.constant 0 : i32
    %dma_start3A_45 = tpu.memref_slice %arg2[%dma_start3A_43, %dma_start3A_44] : memref<4096x512xi32, #tpu.memory_space<hbm>> -> memref<4096x512xi32, #tpu.memory_space<hbm>>
    tpu.enqueue_indirect_dma source(%dma_start3A_45 : memref<4096x512xi32, #tpu.memory_space<hbm>>) target(%arg6 : memref<64x512xi32, #tpu.memory_space<vmem>>) offsets(%dma_start3A_42 : memref<64xi32, #tpu.memory_space<vmem>>) semaphore(%arg9 : memref<!tpu.dma_semaphore, #tpu.memory_space<semaphore_mem>>)
    %dma_wait3A_46 = arith.constant 1 : i32
    %dma_wait3A_47 = arith.constant 0 : i32
    %dma_wait3A_48 = tpu.memref_slice %arg5[%dma_wait3A_46, %dma_wait3A_47] : memref<4x64xi32, #tpu.memory_space<vmem>> -> memref<1x64xi32, #tpu.memory_space<vmem>>
    %dma_wait3A_49 = tpu.memref_squeeze %dma_wait3A_48 : memref<1x64xi32, #tpu.memory_space<vmem>> -> memref<64xi32, #tpu.memory_space<vmem>>
    %dma_wait3A_50 = arith.constant 0 : i32
    %dma_wait3A_51 = arith.constant 0 : i32
    %dma_wait3A_52 = tpu.memref_slice %arg2[%dma_wait3A_50, %dma_wait3A_51] : memref<4096x512xi32, #tpu.memory_space<hbm>> -> memref<4096x512xi32, #tpu.memory_space<hbm>>
    tpu.wait_indirect_dma semaphore(%arg10 : memref<!tpu.dma_semaphore, #tpu.memory_space<semaphore_mem>>) src(%dma_wait3A_52 : memref<4096x512xi32, #tpu.memory_space<hbm>>) dst(%arg7 : memref<64x512xi32, #tpu.memory_space<vmem>>)
    %add3A_53 = arith.constant 64 : i32
    %add3A_54 = arith.addi %mul3A_2, %add3A_53 : i32
    %dma_start3A_55 = arith.constant 0 : i32
    %dma_start3A_56 = tpu.memref_slice %arg4[%add3A_54, %dma_start3A_55] : memref<8192x512xi32, #tpu.memory_space<hbm>> -> memref<64x512xi32, #tpu.memory_space<hbm>>
    %dma_start3A_57 = arith.constant 0 : i32
    %dma_start3A_58 = tpu.memref_slice %arg4[%add3A_54, %dma_start3A_57] : memref<8192x512xi32, #tpu.memory_space<hbm>> -> memref<64x512xi32, #tpu.memory_space<hbm>>
    tpu.enqueue_dma source(%arg7 : memref<64x512xi32, #tpu.memory_space<vmem>>) target(%dma_start3A_58 : memref<64x512xi32, #tpu.memory_space<hbm>>) target_semaphore(%arg13 : memref<!tpu.dma_semaphore, #tpu.memory_space<semaphore_mem>>)
    %dma_wait3A_59 = arith.constant 2 : i32
    %dma_wait3A_60 = arith.constant 0 : i32
    %dma_wait3A_61 = tpu.memref_slice %arg5[%dma_wait3A_59, %dma_wait3A_60] : memref<4x64xi32, #tpu.memory_space<vmem>> -> memref<1x64xi32, #tpu.memory_space<vmem>>
    %dma_wait3A_62 = tpu.memref_squeeze %dma_wait3A_61 : memref<1x64xi32, #tpu.memory_space<vmem>> -> memref<64xi32, #tpu.memory_space<vmem>>
    %dma_wait3A_63 = arith.constant 0 : i32
    %dma_wait3A_64 = arith.constant 0 : i32
    %dma_wait3A_65 = tpu.memref_slice %arg2[%dma_wait3A_63, %dma_wait3A_64] : memref<4096x512xi32, #tpu.memory_space<hbm>> -> memref<4096x512xi32, #tpu.memory_space<hbm>>
    tpu.wait_indirect_dma semaphore(%arg11 : memref<!tpu.dma_semaphore, #tpu.memory_space<semaphore_mem>>) src(%dma_wait3A_65 : memref<4096x512xi32, #tpu.memory_space<hbm>>) dst(%arg8 : memref<64x512xi32, #tpu.memory_space<vmem>>)
    %add3A_66 = arith.constant 128 : i32
    %add3A_67 = arith.addi %mul3A_2, %add3A_66 : i32
    %dma_start3A_68 = arith.constant 0 : i32
    %dma_start3A_69 = tpu.memref_slice %arg4[%add3A_67, %dma_start3A_68] : memref<8192x512xi32, #tpu.memory_space<hbm>> -> memref<64x512xi32, #tpu.memory_space<hbm>>
    %dma_start3A_70 = arith.constant 0 : i32
    %dma_start3A_71 = tpu.memref_slice %arg4[%add3A_67, %dma_start3A_70] : memref<8192x512xi32, #tpu.memory_space<hbm>> -> memref<64x512xi32, #tpu.memory_space<hbm>>
    tpu.enqueue_dma source(%arg8 : memref<64x512xi32, #tpu.memory_space<vmem>>) target(%dma_start3A_71 : memref<64x512xi32, #tpu.memory_space<hbm>>) target_semaphore(%arg14 : memref<!tpu.dma_semaphore, #tpu.memory_space<semaphore_mem>>)
    %dma_wait3A_72 = arith.constant 3 : i32
    %dma_wait3A_73 = arith.constant 0 : i32
    %dma_wait3A_74 = tpu.memref_slice %arg5[%dma_wait3A_72, %dma_wait3A_73] : memref<4x64xi32, #tpu.memory_space<vmem>> -> memref<1x64xi32, #tpu.memory_space<vmem>>
    %dma_wait3A_75 = tpu.memref_squeeze %dma_wait3A_74 : memref<1x64xi32, #tpu.memory_space<vmem>> -> memref<64xi32, #tpu.memory_space<vmem>>
    %dma_wait3A_76 = arith.constant 0 : i32
    %dma_wait3A_77 = arith.constant 0 : i32
    %dma_wait3A_78 = tpu.memref_slice %arg2[%dma_wait3A_76, %dma_wait3A_77] : memref<4096x512xi32, #tpu.memory_space<hbm>> -> memref<4096x512xi32, #tpu.memory_space<hbm>>
    tpu.wait_indirect_dma semaphore(%arg9 : memref<!tpu.dma_semaphore, #tpu.memory_space<semaphore_mem>>) src(%dma_wait3A_78 : memref<4096x512xi32, #tpu.memory_space<hbm>>) dst(%arg6 : memref<64x512xi32, #tpu.memory_space<vmem>>)
    %add3A_79 = arith.constant 192 : i32
    %add3A_80 = arith.addi %mul3A_2, %add3A_79 : i32
    %dma_start3A_81 = arith.constant 0 : i32
    %dma_start3A_82 = tpu.memref_slice %arg4[%add3A_80, %dma_start3A_81] : memref<8192x512xi32, #tpu.memory_space<hbm>> -> memref<64x512xi32, #tpu.memory_space<hbm>>
    %dma_start3A_83 = arith.constant 0 : i32
    %dma_start3A_84 = tpu.memref_slice %arg4[%add3A_80, %dma_start3A_83] : memref<8192x512xi32, #tpu.memory_space<hbm>> -> memref<64x512xi32, #tpu.memory_space<hbm>>
    tpu.enqueue_dma source(%arg6 : memref<64x512xi32, #tpu.memory_space<vmem>>) target(%dma_start3A_84 : memref<64x512xi32, #tpu.memory_space<hbm>>) target_semaphore(%arg12 : memref<!tpu.dma_semaphore, #tpu.memory_space<semaphore_mem>>)
    %dma_wait3A_85 = arith.constant 0 : i32
    %dma_wait3A_86 = tpu.memref_slice %arg4[%add3A_80, %dma_wait3A_85] : memref<8192x512xi32, #tpu.memory_space<hbm>> -> memref<64x512xi32, #tpu.memory_space<hbm>>
    %dma_wait3A_87 = arith.constant 0 : i32
    %dma_wait3A_88 = tpu.memref_slice %arg4[%add3A_80, %dma_wait3A_87] : memref<8192x512xi32, #tpu.memory_space<hbm>> -> memref<64x512xi32, #tpu.memory_space<hbm>>
    tpu.wait_dma2 semaphore(%arg12 : memref<!tpu.dma_semaphore, #tpu.memory_space<semaphore_mem>>) src(%arg6 : memref<64x512xi32, #tpu.memory_space<vmem>>) dst(%dma_wait3A_88 : memref<64x512xi32, #tpu.memory_space<hbm>>)
    %dma_wait3A_89 = arith.constant 0 : i32
    %dma_wait3A_90 = tpu.memref_slice %arg4[%add3A_54, %dma_wait3A_89] : memref<8192x512xi32, #tpu.memory_space<hbm>> -> memref<64x512xi32, #tpu.memory_space<hbm>>
    %dma_wait3A_91 = arith.constant 0 : i32
    %dma_wait3A_92 = tpu.memref_slice %arg4[%add3A_54, %dma_wait3A_91] : memref<8192x512xi32, #tpu.memory_space<hbm>> -> memref<64x512xi32, #tpu.memory_space<hbm>>
    tpu.wait_dma2 semaphore(%arg13 : memref<!tpu.dma_semaphore, #tpu.memory_space<semaphore_mem>>) src(%arg7 : memref<64x512xi32, #tpu.memory_space<vmem>>) dst(%dma_wait3A_92 : memref<64x512xi32, #tpu.memory_space<hbm>>)
    %dma_wait3A_93 = arith.constant 0 : i32
    %dma_wait3A_94 = tpu.memref_slice %arg4[%add3A_67, %dma_wait3A_93] : memref<8192x512xi32, #tpu.memory_space<hbm>> -> memref<64x512xi32, #tpu.memory_space<hbm>>
    %dma_wait3A_95 = arith.constant 0 : i32
    %dma_wait3A_96 = tpu.memref_slice %arg4[%add3A_67, %dma_wait3A_95] : memref<8192x512xi32, #tpu.memory_space<hbm>> -> memref<64x512xi32, #tpu.memory_space<hbm>>
    tpu.wait_dma2 semaphore(%arg14 : memref<!tpu.dma_semaphore, #tpu.memory_space<semaphore_mem>>) src(%arg8 : memref<64x512xi32, #tpu.memory_space<vmem>>) dst(%dma_wait3A_96 : memref<64x512xi32, #tpu.memory_space<hbm>>)
    return
  }
}

#map = affine_map<(d0, d1) -> (0, 0)>
#map1 = affine_map<(d0, d1) -> (0, 0, 0)>
module attributes {stable_mosaic.version = 14 : i64} {
  func.func @k(%arg0: i32, %arg1: i32, %arg2: memref<8192x512xi32, #tpu.memory_space<hbm>>, %arg3: memref<32x4x64xi32, #tpu.memory_space<hbm>>, %arg4: memref<8192x512xi32, #tpu.memory_space<hbm>>, %arg5: memref<4x64xi32, #tpu.memory_space<vmem>>, %arg6: memref<64x512xi32, #tpu.memory_space<vmem>>, %arg7: memref<64x512xi32, #tpu.memory_space<vmem>>, %arg8: memref<64x512xi32, #tpu.memory_space<vmem>>, %arg9: memref<!tpu.dma_semaphore, #tpu.memory_space<semaphore_mem>>, %arg10: memref<!tpu.dma_semaphore, #tpu.memory_space<semaphore_mem>>, %arg11: memref<!tpu.dma_semaphore, #tpu.memory_space<semaphore_mem>>, %arg12: memref<!tpu.dma_semaphore, #tpu.memory_space<semaphore_mem>>, %arg13: memref<!tpu.dma_semaphore, #tpu.memory_space<semaphore_mem>>, %arg14: memref<!tpu.dma_semaphore, #tpu.memory_space<semaphore_mem>>) attributes {dimension_semantics = [#tpu.dimension_semantics<core_parallel>, #tpu.dimension_semantics<subcore_parallel>], iteration_bounds = array<i64: 2, 16>, scalar_prefetch = 0 : i64, scratch_operands = 10 : i64, tpu.core_type = #tpu.core_type<sc_vector_subcore>, window_params = [{transform_indices = #map}, {transform_indices = #map1}, {transform_indices = #map}]} {
    %mul3A = arith.constant 2 : i32
    %mul3A_0 = arith.muli %arg1, %mul3A : i32
    %add3A = arith.addi %mul3A_0, %arg0 : i32
    %mul3A_1 = arith.constant 256 : i32
    %mul3A_2 = arith.muli %add3A, %mul3A_1 : i32
    "tpu.region"() ({
      %run_scoped3A = tpu.sem_alloc : memref<!tpu.dma_semaphore, #tpu.memory_space<semaphore_mem>>
      %dma_start3A_97 = arith.constant 0 : i32
      %dma_start3A_98 = arith.constant 0 : i32
      %dma_start3A_99 = tpu.memref_slice %arg3[%add3A, %dma_start3A_97, %dma_start3A_98] : memref<32x4x64xi32, #tpu.memory_space<hbm>> -> memref<1x4x64xi32, #tpu.memory_space<hbm>>
      %dma_start3A_100 = tpu.memref_squeeze %dma_start3A_99 : memref<1x4x64xi32, #tpu.memory_space<hbm>> -> memref<4x64xi32, #tpu.memory_space<hbm>>
      %dma_start3A_101 = arith.constant 0 : i32
      %dma_start3A_102 = arith.constant 0 : i32
      %dma_start3A_103 = tpu.memref_slice %arg3[%add3A, %dma_start3A_101, %dma_start3A_102] : memref<32x4x64xi32, #tpu.memory_space<hbm>> -> memref<1x4x64xi32, #tpu.memory_space<hbm>>
      %dma_start3A_104 = tpu.memref_squeeze %dma_start3A_103 : memref<1x4x64xi32, #tpu.memory_space<hbm>> -> memref<4x64xi32, #tpu.memory_space<hbm>>
      tpu.enqueue_dma source(%dma_start3A_104 : memref<4x64xi32, #tpu.memory_space<hbm>>) target(%arg5 : memref<4x64xi32, #tpu.memory_space<vmem>>) target_semaphore(%run_scoped3A : memref<!tpu.dma_semaphore, #tpu.memory_space<semaphore_mem>>)
      %dma_wait3A_105 = arith.constant 0 : i32
      %dma_wait3A_106 = arith.constant 0 : i32
      %dma_wait3A_107 = tpu.memref_slice %arg3[%add3A, %dma_wait3A_105, %dma_wait3A_106] : memref<32x4x64xi32, #tpu.memory_space<hbm>> -> memref<1x4x64xi32, #tpu.memory_space<hbm>>
      %dma_wait3A_108 = tpu.memref_squeeze %dma_wait3A_107 : memref<1x4x64xi32, #tpu.memory_space<hbm>> -> memref<4x64xi32, #tpu.memory_space<hbm>>
      %dma_wait3A_109 = arith.constant 0 : i32
      %dma_wait3A_110 = arith.constant 0 : i32
      %dma_wait3A_111 = tpu.memref_slice %arg3[%add3A, %dma_wait3A_109, %dma_wait3A_110] : memref<32x4x64xi32, #tpu.memory_space<hbm>> -> memref<1x4x64xi32, #tpu.memory_space<hbm>>
      %dma_wait3A_112 = tpu.memref_squeeze %dma_wait3A_111 : memref<1x4x64xi32, #tpu.memory_space<hbm>> -> memref<4x64xi32, #tpu.memory_space<hbm>>
      tpu.wait_dma2 semaphore(%run_scoped3A : memref<!tpu.dma_semaphore, #tpu.memory_space<semaphore_mem>>) src(%dma_wait3A_112 : memref<4x64xi32, #tpu.memory_space<hbm>>) dst(%arg5 : memref<4x64xi32, #tpu.memory_space<vmem>>)
      tpu.yield
    }) : () -> ()
    %dma_start3A = arith.constant 0 : i32
    %dma_start3A_3 = arith.constant 0 : i32
    %dma_start3A_4 = tpu.memref_slice %arg5[%dma_start3A, %dma_start3A_3] : memref<4x64xi32, #tpu.memory_space<vmem>> -> memref<1x64xi32, #tpu.memory_space<vmem>>
    %dma_start3A_5 = tpu.memref_squeeze %dma_start3A_4 : memref<1x64xi32, #tpu.memory_space<vmem>> -> memref<64xi32, #tpu.memory_space<vmem>>
    %dma_start3A_6 = arith.constant 0 : i32
    %dma_start3A_7 = arith.constant 0 : i32
    %dma_start3A_8 = tpu.memref_slice %arg2[%dma_start3A_6, %dma_start3A_7] : memref<8192x512xi32, #tpu.memory_space<hbm>> -> memref<8192x512xi32, #tpu.memory_space<hbm>>
    tpu.enqueue_indirect_dma source(%dma_start3A_8 : memref<8192x512xi32, #tpu.memory_space<hbm>>) target(%arg6 : memref<64x512xi32, #tpu.memory_space<vmem>>) offsets(%dma_start3A_5 : memref<64xi32, #tpu.memory_space<vmem>>) semaphore(%arg9 : memref<!tpu.dma_semaphore, #tpu.memory_space<semaphore_mem>>)
    %dma_start3A_9 = arith.constant 1 : i32
    %dma_start3A_10 = arith.constant 0 : i32
    %dma_start3A_11 = tpu.memref_slice %arg5[%dma_start3A_9, %dma_start3A_10] : memref<4x64xi32, #tpu.memory_space<vmem>> -> memref<1x64xi32, #tpu.memory_space<vmem>>
    %dma_start3A_12 = tpu.memref_squeeze %dma_start3A_11 : memref<1x64xi32, #tpu.memory_space<vmem>> -> memref<64xi32, #tpu.memory_space<vmem>>
    %dma_start3A_13 = arith.constant 0 : i32
    %dma_start3A_14 = arith.constant 0 : i32
    %dma_start3A_15 = tpu.memref_slice %arg2[%dma_start3A_13, %dma_start3A_14] : memref<8192x512xi32, #tpu.memory_space<hbm>> -> memref<8192x512xi32, #tpu.memory_space<hbm>>
    tpu.enqueue_indirect_dma source(%dma_start3A_15 : memref<8192x512xi32, #tpu.memory_space<hbm>>) target(%arg7 : memref<64x512xi32, #tpu.memory_space<vmem>>) offsets(%dma_start3A_12 : memref<64xi32, #tpu.memory_space<vmem>>) semaphore(%arg10 : memref<!tpu.dma_semaphore, #tpu.memory_space<semaphore_mem>>)
    %dma_start3A_16 = arith.constant 2 : i32
    %dma_start3A_17 = arith.constant 0 : i32
    %dma_start3A_18 = tpu.memref_slice %arg5[%dma_start3A_16, %dma_start3A_17] : memref<4x64xi32, #tpu.memory_space<vmem>> -> memref<1x64xi32, #tpu.memory_space<vmem>>
    %dma_start3A_19 = tpu.memref_squeeze %dma_start3A_18 : memref<1x64xi32, #tpu.memory_space<vmem>> -> memref<64xi32, #tpu.memory_space<vmem>>
    %dma_start3A_20 = arith.constant 0 : i32
    %dma_start3A_21 = arith.constant 0 : i32
    %dma_start3A_22 = tpu.memref_slice %arg2[%dma_start3A_20, %dma_start3A_21] : memref<8192x512xi32, #tpu.memory_space<hbm>> -> memref<8192x512xi32, #tpu.memory_space<hbm>>
    tpu.enqueue_indirect_dma source(%dma_start3A_22 : memref<8192x512xi32, #tpu.memory_space<hbm>>) target(%arg8 : memref<64x512xi32, #tpu.memory_space<vmem>>) offsets(%dma_start3A_19 : memref<64xi32, #tpu.memory_space<vmem>>) semaphore(%arg11 : memref<!tpu.dma_semaphore, #tpu.memory_space<semaphore_mem>>)
    %dma_wait3A = arith.constant 0 : i32
    %dma_wait3A_23 = arith.constant 0 : i32
    %dma_wait3A_24 = tpu.memref_slice %arg5[%dma_wait3A, %dma_wait3A_23] : memref<4x64xi32, #tpu.memory_space<vmem>> -> memref<1x64xi32, #tpu.memory_space<vmem>>
    %dma_wait3A_25 = tpu.memref_squeeze %dma_wait3A_24 : memref<1x64xi32, #tpu.memory_space<vmem>> -> memref<64xi32, #tpu.memory_space<vmem>>
    %dma_wait3A_26 = arith.constant 0 : i32
    %dma_wait3A_27 = arith.constant 0 : i32
    %dma_wait3A_28 = tpu.memref_slice %arg2[%dma_wait3A_26, %dma_wait3A_27] : memref<8192x512xi32, #tpu.memory_space<hbm>> -> memref<8192x512xi32, #tpu.memory_space<hbm>>
    tpu.wait_indirect_dma semaphore(%arg9 : memref<!tpu.dma_semaphore, #tpu.memory_space<semaphore_mem>>) src(%dma_wait3A_28 : memref<8192x512xi32, #tpu.memory_space<hbm>>) dst(%arg6 : memref<64x512xi32, #tpu.memory_space<vmem>>)
    %add3A_29 = arith.constant 0 : i32
    %add3A_30 = arith.addi %mul3A_2, %add3A_29 : i32
    %dma_start3A_31 = arith.constant 0 : i32
    %dma_start3A_32 = tpu.memref_slice %arg4[%add3A_30, %dma_start3A_31] : memref<8192x512xi32, #tpu.memory_space<hbm>> -> memref<64x512xi32, #tpu.memory_space<hbm>>
    %dma_start3A_33 = arith.constant 0 : i32
    %dma_start3A_34 = tpu.memref_slice %arg4[%add3A_30, %dma_start3A_33] : memref<8192x512xi32, #tpu.memory_space<hbm>> -> memref<64x512xi32, #tpu.memory_space<hbm>>
    tpu.enqueue_dma source(%arg6 : memref<64x512xi32, #tpu.memory_space<vmem>>) target(%dma_start3A_34 : memref<64x512xi32, #tpu.memory_space<hbm>>) target_semaphore(%arg12 : memref<!tpu.dma_semaphore, #tpu.memory_space<semaphore_mem>>)
    %dma_wait3A_35 = arith.constant 0 : i32
    %dma_wait3A_36 = tpu.memref_slice %arg4[%add3A_30, %dma_wait3A_35] : memref<8192x512xi32, #tpu.memory_space<hbm>> -> memref<64x512xi32, #tpu.memory_space<hbm>>
    %dma_wait3A_37 = arith.constant 0 : i32
    %dma_wait3A_38 = tpu.memref_slice %arg4[%add3A_30, %dma_wait3A_37] : memref<8192x512xi32, #tpu.memory_space<hbm>> -> memref<64x512xi32, #tpu.memory_space<hbm>>
    tpu.wait_dma2 semaphore(%arg12 : memref<!tpu.dma_semaphore, #tpu.memory_space<semaphore_mem>>) src(%arg6 : memref<64x512xi32, #tpu.memory_space<vmem>>) dst(%dma_wait3A_38 : memref<64x512xi32, #tpu.memory_space<hbm>>)
    %dma_start3A_39 = arith.constant 3 : i32
    %dma_start3A_40 = arith.constant 0 : i32
    %dma_start3A_41 = tpu.memref_slice %arg5[%dma_start3A_39, %dma_start3A_40] : memref<4x64xi32, #tpu.memory_space<vmem>> -> memref<1x64xi32, #tpu.memory_space<vmem>>
    %dma_start3A_42 = tpu.memref_squeeze %dma_start3A_41 : memref<1x64xi32, #tpu.memory_space<vmem>> -> memref<64xi32, #tpu.memory_space<vmem>>
    %dma_start3A_43 = arith.constant 0 : i32
    %dma_start3A_44 = arith.constant 0 : i32
    %dma_start3A_45 = tpu.memref_slice %arg2[%dma_start3A_43, %dma_start3A_44] : memref<8192x512xi32, #tpu.memory_space<hbm>> -> memref<8192x512xi32, #tpu.memory_space<hbm>>
    tpu.enqueue_indirect_dma source(%dma_start3A_45 : memref<8192x512xi32, #tpu.memory_space<hbm>>) target(%arg6 : memref<64x512xi32, #tpu.memory_space<vmem>>) offsets(%dma_start3A_42 : memref<64xi32, #tpu.memory_space<vmem>>) semaphore(%arg9 : memref<!tpu.dma_semaphore, #tpu.memory_space<semaphore_mem>>)
    %dma_wait3A_46 = arith.constant 1 : i32
    %dma_wait3A_47 = arith.constant 0 : i32
    %dma_wait3A_48 = tpu.memref_slice %arg5[%dma_wait3A_46, %dma_wait3A_47] : memref<4x64xi32, #tpu.memory_space<vmem>> -> memref<1x64xi32, #tpu.memory_space<vmem>>
    %dma_wait3A_49 = tpu.memref_squeeze %dma_wait3A_48 : memref<1x64xi32, #tpu.memory_space<vmem>> -> memref<64xi32, #tpu.memory_space<vmem>>
    %dma_wait3A_50 = arith.constant 0 : i32
    %dma_wait3A_51 = arith.constant 0 : i32
    %dma_wait3A_52 = tpu.memref_slice %arg2[%dma_wait3A_50, %dma_wait3A_51] : memref<8192x512xi32, #tpu.memory_space<hbm>> -> memref<8192x512xi32, #tpu.memory_space<hbm>>
    tpu.wait_indirect_dma semaphore(%arg10 : memref<!tpu.dma_semaphore, #tpu.memory_space<semaphore_mem>>) src(%dma_wait3A_52 : memref<8192x512xi32, #tpu.memory_space<hbm>>) dst(%arg7 : memref<64x512xi32, #tpu.memory_space<vmem>>)
    %add3A_53 = arith.constant 64 : i32
    %add3A_54 = arith.addi %mul3A_2, %add3A_53 : i32
    %dma_start3A_55 = arith.constant 0 : i32
    %dma_start3A_56 = tpu.memref_slice %arg4[%add3A_54, %dma_start3A_55] : memref<8192x512xi32, #tpu.memory_space<hbm>> -> memref<64x512xi32, #tpu.memory_space<hbm>>
    %dma_start3A_57 = arith.constant 0 : i32
    %dma_start3A_58 = tpu.memref_slice %arg4[%add3A_54, %dma_start3A_57] : memref<8192x512xi32, #tpu.memory_space<hbm>> -> memref<64x512xi32, #tpu.memory_space<hbm>>
    tpu.enqueue_dma source(%arg7 : memref<64x512xi32, #tpu.memory_space<vmem>>) target(%dma_start3A_58 : memref<64x512xi32, #tpu.memory_space<hbm>>) target_semaphore(%arg13 : memref<!tpu.dma_semaphore, #tpu.memory_space<semaphore_mem>>)
    %dma_wait3A_59 = arith.constant 2 : i32
    %dma_wait3A_60 = arith.constant 0 : i32
    %dma_wait3A_61 = tpu.memref_slice %arg5[%dma_wait3A_59, %dma_wait3A_60] : memref<4x64xi32, #tpu.memory_space<vmem>> -> memref<1x64xi32, #tpu.memory_space<vmem>>
    %dma_wait3A_62 = tpu.memref_squeeze %dma_wait3A_61 : memref<1x64xi32, #tpu.memory_space<vmem>> -> memref<64xi32, #tpu.memory_space<vmem>>
    %dma_wait3A_63 = arith.constant 0 : i32
    %dma_wait3A_64 = arith.constant 0 : i32
    %dma_wait3A_65 = tpu.memref_slice %arg2[%dma_wait3A_63, %dma_wait3A_64] : memref<8192x512xi32, #tpu.memory_space<hbm>> -> memref<8192x512xi32, #tpu.memory_space<hbm>>
    tpu.wait_indirect_dma semaphore(%arg11 : memref<!tpu.dma_semaphore, #tpu.memory_space<semaphore_mem>>) src(%dma_wait3A_65 : memref<8192x512xi32, #tpu.memory_space<hbm>>) dst(%arg8 : memref<64x512xi32, #tpu.memory_space<vmem>>)
    %add3A_66 = arith.constant 128 : i32
    %add3A_67 = arith.addi %mul3A_2, %add3A_66 : i32
    %dma_start3A_68 = arith.constant 0 : i32
    %dma_start3A_69 = tpu.memref_slice %arg4[%add3A_67, %dma_start3A_68] : memref<8192x512xi32, #tpu.memory_space<hbm>> -> memref<64x512xi32, #tpu.memory_space<hbm>>
    %dma_start3A_70 = arith.constant 0 : i32
    %dma_start3A_71 = tpu.memref_slice %arg4[%add3A_67, %dma_start3A_70] : memref<8192x512xi32, #tpu.memory_space<hbm>> -> memref<64x512xi32, #tpu.memory_space<hbm>>
    tpu.enqueue_dma source(%arg8 : memref<64x512xi32, #tpu.memory_space<vmem>>) target(%dma_start3A_71 : memref<64x512xi32, #tpu.memory_space<hbm>>) target_semaphore(%arg14 : memref<!tpu.dma_semaphore, #tpu.memory_space<semaphore_mem>>)
    %dma_wait3A_72 = arith.constant 3 : i32
    %dma_wait3A_73 = arith.constant 0 : i32
    %dma_wait3A_74 = tpu.memref_slice %arg5[%dma_wait3A_72, %dma_wait3A_73] : memref<4x64xi32, #tpu.memory_space<vmem>> -> memref<1x64xi32, #tpu.memory_space<vmem>>
    %dma_wait3A_75 = tpu.memref_squeeze %dma_wait3A_74 : memref<1x64xi32, #tpu.memory_space<vmem>> -> memref<64xi32, #tpu.memory_space<vmem>>
    %dma_wait3A_76 = arith.constant 0 : i32
    %dma_wait3A_77 = arith.constant 0 : i32
    %dma_wait3A_78 = tpu.memref_slice %arg2[%dma_wait3A_76, %dma_wait3A_77] : memref<8192x512xi32, #tpu.memory_space<hbm>> -> memref<8192x512xi32, #tpu.memory_space<hbm>>
    tpu.wait_indirect_dma semaphore(%arg9 : memref<!tpu.dma_semaphore, #tpu.memory_space<semaphore_mem>>) src(%dma_wait3A_78 : memref<8192x512xi32, #tpu.memory_space<hbm>>) dst(%arg6 : memref<64x512xi32, #tpu.memory_space<vmem>>)
    %add3A_79 = arith.constant 192 : i32
    %add3A_80 = arith.addi %mul3A_2, %add3A_79 : i32
    %dma_start3A_81 = arith.constant 0 : i32
    %dma_start3A_82 = tpu.memref_slice %arg4[%add3A_80, %dma_start3A_81] : memref<8192x512xi32, #tpu.memory_space<hbm>> -> memref<64x512xi32, #tpu.memory_space<hbm>>
    %dma_start3A_83 = arith.constant 0 : i32
    %dma_start3A_84 = tpu.memref_slice %arg4[%add3A_80, %dma_start3A_83] : memref<8192x512xi32, #tpu.memory_space<hbm>> -> memref<64x512xi32, #tpu.memory_space<hbm>>
    tpu.enqueue_dma source(%arg6 : memref<64x512xi32, #tpu.memory_space<vmem>>) target(%dma_start3A_84 : memref<64x512xi32, #tpu.memory_space<hbm>>) target_semaphore(%arg12 : memref<!tpu.dma_semaphore, #tpu.memory_space<semaphore_mem>>)
    %dma_wait3A_85 = arith.constant 0 : i32
    %dma_wait3A_86 = tpu.memref_slice %arg4[%add3A_80, %dma_wait3A_85] : memref<8192x512xi32, #tpu.memory_space<hbm>> -> memref<64x512xi32, #tpu.memory_space<hbm>>
    %dma_wait3A_87 = arith.constant 0 : i32
    %dma_wait3A_88 = tpu.memref_slice %arg4[%add3A_80, %dma_wait3A_87] : memref<8192x512xi32, #tpu.memory_space<hbm>> -> memref<64x512xi32, #tpu.memory_space<hbm>>
    tpu.wait_dma2 semaphore(%arg12 : memref<!tpu.dma_semaphore, #tpu.memory_space<semaphore_mem>>) src(%arg6 : memref<64x512xi32, #tpu.memory_space<vmem>>) dst(%dma_wait3A_88 : memref<64x512xi32, #tpu.memory_space<hbm>>)
    %dma_wait3A_89 = arith.constant 0 : i32
    %dma_wait3A_90 = tpu.memref_slice %arg4[%add3A_54, %dma_wait3A_89] : memref<8192x512xi32, #tpu.memory_space<hbm>> -> memref<64x512xi32, #tpu.memory_space<hbm>>
    %dma_wait3A_91 = arith.constant 0 : i32
    %dma_wait3A_92 = tpu.memref_slice %arg4[%add3A_54, %dma_wait3A_91] : memref<8192x512xi32, #tpu.memory_space<hbm>> -> memref<64x512xi32, #tpu.memory_space<hbm>>
    tpu.wait_dma2 semaphore(%arg13 : memref<!tpu.dma_semaphore, #tpu.memory_space<semaphore_mem>>) src(%arg7 : memref<64x512xi32, #tpu.memory_space<vmem>>) dst(%dma_wait3A_92 : memref<64x512xi32, #tpu.memory_space<hbm>>)
    %dma_wait3A_93 = arith.constant 0 : i32
    %dma_wait3A_94 = tpu.memref_slice %arg4[%add3A_67, %dma_wait3A_93] : memref<8192x512xi32, #tpu.memory_space<hbm>> -> memref<64x512xi32, #tpu.memory_space<hbm>>
    %dma_wait3A_95 = arith.constant 0 : i32
    %dma_wait3A_96 = tpu.memref_slice %arg4[%add3A_67, %dma_wait3A_95] : memref<8192x512xi32, #tpu.memory_space<hbm>> -> memref<64x512xi32, #tpu.memory_space<hbm>>
    tpu.wait_dma2 semaphore(%arg14 : memref<!tpu.dma_semaphore, #tpu.memory_space<semaphore_mem>>) src(%arg8 : memref<64x512xi32, #tpu.memory_space<vmem>>) dst(%dma_wait3A_96 : memref<64x512xi32, #tpu.memory_space<hbm>>)
    return
  }
}

module attributes {stable_mosaic.version = 14 : i64} {
  func.func @_deq_pack_body(%arg0: i32, %arg1: memref<1024x1024xi32, #tpu.memory_space<vmem>>, %arg2: memref<1024x128xf32, #tpu.memory_space<vmem>>, %arg3: memref<1024x512xi32, #tpu.memory_space<vmem>>) attributes {dimension_semantics = [#tpu.dimension_semantics<arbitrary>], iteration_bounds = array<i64: 4>, scalar_prefetch = 0 : i64, scratch_operands = 0 : i64, tpu.core_type = #tpu.core_type<tc>, window_params = [{transform_indices = @transform_0, window_bounds = array<i64: 1024, 1024>}, {transform_indices = @transform_1, window_bounds = array<i64: 1024, 128>}, {transform_indices = @transform_2, window_bounds = array<i64: 1024, 512>}]} {
    %get3A = arith.constant 0 : index
    %get3A_0 = arith.constant 0 : index
    %get3A_1 = vector.load %arg2[%get3A, %get3A_0] : memref<1024x128xf32, #tpu.memory_space<vmem>>, vector<1024x128xf32>
    %iota3A = tpu.iota {dimensions = array<i32: 0>} : vector<128x1024xi32>
    %iota3A_2 = tpu.iota {dimensions = array<i32: 1>} : vector<128x1024xi32>
    %jit3A = arith.constant 8 : i32
    %div3A = vector.broadcast %jit3A : i32 to vector<128x1024xi32>
    %div3A_3 = arith.divsi %iota3A_2, %div3A : vector<128x1024xi32>
    %sign3A = arith.constant 0 : i32
    %sign3A_4 = vector.broadcast %sign3A : i32 to vector<128x1024xi32>
    %sign3A_5 = arith.cmpi sgt, %iota3A_2, %sign3A_4 : vector<128x1024xi32>
    %sign3A_6 = arith.extui %sign3A_5 : vector<128x1024xi1> to vector<128x1024xi32>
    %sign3A_7 = arith.constant 0 : i32
    %sign3A_8 = vector.broadcast %sign3A_7 : i32 to vector<128x1024xi32>
    %sign3A_9 = arith.cmpi slt, %iota3A_2, %sign3A_8 : vector<128x1024xi32>
    %sign3A_10 = arith.extui %sign3A_9 : vector<128x1024xi1> to vector<128x1024xi32>
    %sign3A_11 = arith.subi %sign3A_6, %sign3A_10 : vector<128x1024xi32>
    %sign3A_12 = arith.constant 0 : i32
    %sign3A_13 = arith.cmpi sgt, %jit3A, %sign3A_12 : i32
    %sign3A_14 = arith.extui %sign3A_13 : i1 to i32
    %sign3A_15 = arith.constant 0 : i32
    %sign3A_16 = arith.cmpi slt, %jit3A, %sign3A_15 : i32
    %sign3A_17 = arith.extui %sign3A_16 : i1 to i32
    %sign3A_18 = arith.subi %sign3A_14, %sign3A_17 : i32
    %ne3A = vector.broadcast %sign3A_18 : i32 to vector<128x1024xi32>
    %ne3A_19 = arith.cmpi ne, %sign3A_11, %ne3A : vector<128x1024xi32>
    %rem3A = vector.broadcast %jit3A : i32 to vector<128x1024xi32>
    %rem3A_20 = arith.remsi %iota3A_2, %rem3A : vector<128x1024xi32>
    %ne3A_21 = arith.constant 0 : i32
    %ne3A_22 = vector.broadcast %ne3A_21 : i32 to vector<128x1024xi32>
    %ne3A_23 = arith.cmpi ne, %rem3A_20, %ne3A_22 : vector<128x1024xi32>
    %and3A = arith.andi %ne3A_19, %ne3A_23 : vector<128x1024xi1>
    %sub3A = arith.constant 1 : i32
    %sub3A_24 = vector.broadcast %sub3A : i32 to vector<128x1024xi32>
    %sub3A_25 = arith.subi %div3A_3, %sub3A_24 : vector<128x1024xi32>
    %select_n3A = arith.select %and3A, %sub3A_25, %div3A_3 : vector<128x1024xi1>, vector<128x1024xi32>
    %eq3A = arith.cmpi eq, %select_n3A, %iota3A : vector<128x1024xi32>
    %convert_element_type3A = arith.extui %eq3A : vector<128x1024xi1> to vector<128x1024xi32>
    %convert_element_type3A_26 = arith.sitofp %convert_element_type3A : vector<128x1024xi32> to vector<128x1024xf32>
    %dot_general3A = arith.constant dense<0.000000e+00> : vector<1024x1024xf32>
    %dot_general3A_27 = tpu.matmul %get3A_1, %convert_element_type3A_26, %dot_general3A {dimension_numbers = #tpu.dot_dimension_numbers<[1], [0], [0], [1], [0, 0, 1, 1], [], []>, transpose_lhs_hint = false} : vector<1024x128xf32>, vector<128x1024xf32>, vector<1024x1024xf32> -> vector<1024x1024xf32>
    %get3A_28 = arith.constant 0 : index
    %get3A_29 = arith.constant 0 : index
    %get3A_30 = vector.load %arg1[%get3A_28, %get3A_29] : memref<1024x1024xi32, #tpu.memory_space<vmem>>, vector<1024x1024xi32>
    %convert_element_type3A_31 = arith.sitofp %get3A_30 : vector<1024x1024xi32> to vector<1024x1024xf32>
    %mul3A = arith.mulf %convert_element_type3A_31, %dot_general3A_27 : vector<1024x1024xf32>
    %convert_element_type3A_32 = arith.truncf %mul3A : vector<1024x1024xf32> to vector<1024x1024xbf16>
    %convert_element_type3A_33 = arith.extf %convert_element_type3A_32 : vector<1024x1024xbf16> to vector<1024x1024xf32>
    %bitcast_convert_type3A = tpu.bitcast %convert_element_type3A_33 : vector<1024x1024xf32> -> vector<1024x1024xi32>
    %slice3A = vector.extract_strided_slice %bitcast_convert_type3A {offsets = [0, 0], sizes = [1024, 512], strides = [1, 1]} : vector<1024x1024xi32> to vector<1024x512xi32>
    %shift_right_logical3A = arith.constant 16 : i32
    %shift_right_logical3A_34 = vector.broadcast %shift_right_logical3A : i32 to vector<1024x512xi32>
    %shift_right_logical3A_35 = arith.shrui %slice3A, %shift_right_logical3A_34 : vector<1024x512xi32>
    %slice3A_36 = vector.extract_strided_slice %bitcast_convert_type3A {offsets = [0, 512], sizes = [1024, 512], strides = [1, 1]} : vector<1024x1024xi32> to vector<1024x512xi32>
    %or3A = arith.ori %shift_right_logical3A_35, %slice3A_36 : vector<1024x512xi32>
    %swap3A = arith.constant 0 : index
    %swap3A_37 = arith.constant 0 : index
    %swap3A_38 = vector.load %arg3[%swap3A, %swap3A_37] : memref<1024x512xi32, #tpu.memory_space<vmem>>, vector<1024x512xi32>
    tpu.vector_store %arg3[%swap3A, %swap3A_37], %or3A {strides = array<i32>} : memref<1024x512xi32, #tpu.memory_space<vmem>>, vector<1024x512xi32>,
    return
  }
  func.func @transform_0(%arg0: i32) -> (i32, i32) {
    %c0_i32 = arith.constant 0 : i32
    %c0_i32_0 = arith.constant 0 : i32
    return %arg0, %c0_i32 : i32, i32
  }
  func.func @transform_1(%arg0: i32) -> (i32, i32) {
    %c0_i32 = arith.constant 0 : i32
    %c0_i32_0 = arith.constant 0 : i32
    return %arg0, %c0_i32 : i32, i32
  }
  func.func @transform_2(%arg0: i32) -> (i32, i32) {
    %c0_i32 = arith.constant 0 : i32
    %c0_i32_0 = arith.constant 0 : i32
    return %arg0, %c0_i32 : i32, i32
  }
}

module attributes {stable_mosaic.version = 14 : i64} {
  func.func @_gemm_body(%arg0: i32, %arg1: memref<256x512xi32, #tpu.memory_space<vmem>>, %arg2: memref<2x1024x1024xi32, #tpu.memory_space<vmem>>, %arg3: memref<2x128x1024xf32, #tpu.memory_space<vmem>>, %arg4: memref<2x1x1024xf32, #tpu.memory_space<vmem>>, %arg5: memref<256x512xi32, #tpu.memory_space<vmem>>) attributes {dimension_semantics = [#tpu.dimension_semantics<arbitrary>], iteration_bounds = array<i64: 32>, scalar_prefetch = 0 : i64, scratch_operands = 0 : i64, tpu.core_type = #tpu.core_type<tc>, window_params = [{transform_indices = @transform_0, window_bounds = array<i64: 256, 512>}, {transform_indices = @transform_1, window_bounds = array<i64: 2, 1024, 1024>}, {transform_indices = @transform_2, window_bounds = array<i64: 2, 128, 1024>}, {transform_indices = @transform_3, window_bounds = array<i64: 2, 1, 1024>}, {transform_indices = @transform_4, window_bounds = array<i64: 256, 512>}]} {
    %get3A = arith.constant 0 : index
    %get3A_0 = arith.constant 0 : index
    %get3A_1 = vector.load %arg1[%get3A, %get3A_0] : memref<256x512xi32, #tpu.memory_space<vmem>>, vector<128x512xi32>
    %shift_left3A = arith.constant 16 : i32
    %shift_left3A_2 = vector.broadcast %shift_left3A : i32 to vector<128x512xi32>
    %shift_left3A_3 = arith.shli %get3A_1, %shift_left3A_2 : vector<128x512xi32>
    %bitcast_convert_type3A = tpu.bitcast %shift_left3A_3 : vector<128x512xi32> -> vector<128x512xf32>
    %and3A = arith.constant -65536 : i32
    %and3A_4 = vector.broadcast %and3A : i32 to vector<128x512xi32>
    %and3A_5 = arith.andi %get3A_1, %and3A_4 : vector<128x512xi32>
    %bitcast_convert_type3A_6 = tpu.bitcast %and3A_5 : vector<128x512xi32> -> vector<128x512xf32>
    %concatenate3A = tpu.concatenate %bitcast_convert_type3A, %bitcast_convert_type3A_6 in 1 : vector<128x512xf32>, vector<128x512xf32> -> vector<128x1024xf32>
    %convert_element_type3A = arith.truncf %concatenate3A : vector<128x1024xf32> to vector<128x1024xbf16>
    %get3A_7 = arith.constant 0 : index
    %get3A_8 = arith.constant 0 : index
    %get3A_9 = arith.constant 0 : index
    %get3A_10 = vector.load %arg3[%get3A_7, %get3A_8, %get3A_9] : memref<2x128x1024xf32, #tpu.memory_space<vmem>>, vector<1x128x1024xf32>
    %get3A_11 = vector.shape_cast %get3A_10 : vector<1x128x1024xf32> to vector<128x1024xf32>
    %broadcast_in_dim3A = vector.shape_cast %get3A_11 : vector<128x1024xf32> to vector<128x1x1024xf32>
    %broadcast_in_dim3A_12 = vector.shape_cast %broadcast_in_dim3A : vector<128x1x1024xf32> to vector<128x1x1024xf32>
    %broadcast_in_dim3A_13 = vector.broadcast %broadcast_in_dim3A_12 : vector<128x1x1024xf32> to vector<128x8x1024xf32>
    %reshape3A = vector.shape_cast %broadcast_in_dim3A_13 : vector<128x8x1024xf32> to vector<1024x1024xf32>
    %get3A_14 = arith.constant 0 : index
    %get3A_15 = arith.constant 0 : index
    %get3A_16 = arith.constant 0 : index
    %get3A_17 = vector.load %arg2[%get3A_14, %get3A_15, %get3A_16] : memref<2x1024x1024xi32, #tpu.memory_space<vmem>>, vector<1x1024x1024xi32>
    %get3A_18 = vector.shape_cast %get3A_17 : vector<1x1024x1024xi32> to vector<1024x1024xi32>
    %convert_element_type3A_19 = arith.sitofp %get3A_18 : vector<1024x1024xi32> to vector<1024x1024xf32>
    %mul3A = arith.mulf %convert_element_type3A_19, %reshape3A : vector<1024x1024xf32>
    %convert_element_type3A_20 = arith.truncf %mul3A : vector<1024x1024xf32> to vector<1024x1024xbf16>
    %dot_general3A = arith.constant dense<0.000000e+00> : vector<128x1024xf32>
    %dot_general3A_21 = tpu.matmul %convert_element_type3A, %convert_element_type3A_20, %dot_general3A {dimension_numbers = #tpu.dot_dimension_numbers<[1], [0], [0], [1], [0, 0, 1, 1], [], []>, transpose_lhs_hint = false} : vector<128x1024xbf16>, vector<1024x1024xbf16>, vector<128x1024xf32> -> vector<128x1024xf32>
    %get3A_22 = arith.constant 0 : index
    %get3A_23 = arith.constant 0 : index
    %get3A_24 = arith.constant 0 : index
    %get3A_25 = vector.load %arg4[%get3A_22, %get3A_23, %get3A_24] : memref<2x1x1024xf32, #tpu.memory_space<vmem>>, vector<1x1x1024xf32>
    %get3A_26 = vector.shape_cast %get3A_25 : vector<1x1x1024xf32> to vector<1x1024xf32>
    %add3A = vector.broadcast %get3A_26 : vector<1x1024xf32> to vector<128x1024xf32>
    %add3A_27 = arith.addf %dot_general3A_21, %add3A : vector<128x1024xf32>
    %convert_element_type3A_28 = arith.truncf %add3A_27 : vector<128x1024xf32> to vector<128x1024xbf16>
    %convert_element_type3A_29 = arith.extf %convert_element_type3A_28 : vector<128x1024xbf16> to vector<128x1024xf32>
    %bitcast_convert_type3A_30 = tpu.bitcast %convert_element_type3A_29 : vector<128x1024xf32> -> vector<128x1024xi32>
    %slice3A = vector.extract_strided_slice %bitcast_convert_type3A_30 {offsets = [0, 0], sizes = [128, 512], strides = [1, 1]} : vector<128x1024xi32> to vector<128x512xi32>
    %shift_right_logical3A = arith.constant 16 : i32
    %shift_right_logical3A_31 = vector.broadcast %shift_right_logical3A : i32 to vector<128x512xi32>
    %shift_right_logical3A_32 = arith.shrui %slice3A, %shift_right_logical3A_31 : vector<128x512xi32>
    %slice3A_33 = vector.extract_strided_slice %bitcast_convert_type3A_30 {offsets = [0, 512], sizes = [128, 512], strides = [1, 1]} : vector<128x1024xi32> to vector<128x512xi32>
    %or3A = arith.ori %shift_right_logical3A_32, %slice3A_33 : vector<128x512xi32>
    %swap3A = arith.constant 0 : index
    %swap3A_34 = arith.constant 0 : index
    %swap3A_35 = vector.load %arg5[%swap3A, %swap3A_34] : memref<256x512xi32, #tpu.memory_space<vmem>>, vector<128x512xi32>
    tpu.vector_store %arg5[%swap3A, %swap3A_34], %or3A {strides = array<i32>} : memref<256x512xi32, #tpu.memory_space<vmem>>, vector<128x512xi32>,
    %get3A_36 = arith.constant 128 : index
    %get3A_37 = arith.constant 0 : index
    %get3A_38 = vector.load %arg1[%get3A_36, %get3A_37] : memref<256x512xi32, #tpu.memory_space<vmem>>, vector<128x512xi32>
    %shift_left3A_39 = arith.constant 16 : i32
    %shift_left3A_40 = vector.broadcast %shift_left3A_39 : i32 to vector<128x512xi32>
    %shift_left3A_41 = arith.shli %get3A_38, %shift_left3A_40 : vector<128x512xi32>
    %bitcast_convert_type3A_42 = tpu.bitcast %shift_left3A_41 : vector<128x512xi32> -> vector<128x512xf32>
    %and3A_43 = arith.constant -65536 : i32
    %and3A_44 = vector.broadcast %and3A_43 : i32 to vector<128x512xi32>
    %and3A_45 = arith.andi %get3A_38, %and3A_44 : vector<128x512xi32>
    %bitcast_convert_type3A_46 = tpu.bitcast %and3A_45 : vector<128x512xi32> -> vector<128x512xf32>
    %concatenate3A_47 = tpu.concatenate %bitcast_convert_type3A_42, %bitcast_convert_type3A_46 in 1 : vector<128x512xf32>, vector<128x512xf32> -> vector<128x1024xf32>
    %convert_element_type3A_48 = arith.truncf %concatenate3A_47 : vector<128x1024xf32> to vector<128x1024xbf16>
    %get3A_49 = arith.constant 1 : index
    %get3A_50 = arith.constant 0 : index
    %get3A_51 = arith.constant 0 : index
    %get3A_52 = vector.load %arg3[%get3A_49, %get3A_50, %get3A_51] : memref<2x128x1024xf32, #tpu.memory_space<vmem>>, vector<1x128x1024xf32>
    %get3A_53 = vector.shape_cast %get3A_52 : vector<1x128x1024xf32> to vector<128x1024xf32>
    %broadcast_in_dim3A_54 = vector.shape_cast %get3A_53 : vector<128x1024xf32> to vector<128x1x1024xf32>
    %broadcast_in_dim3A_55 = vector.shape_cast %broadcast_in_dim3A_54 : vector<128x1x1024xf32> to vector<128x1x1024xf32>
    %broadcast_in_dim3A_56 = vector.broadcast %broadcast_in_dim3A_55 : vector<128x1x1024xf32> to vector<128x8x1024xf32>
    %reshape3A_57 = vector.shape_cast %broadcast_in_dim3A_56 : vector<128x8x1024xf32> to vector<1024x1024xf32>
    %get3A_58 = arith.constant 1 : index
    %get3A_59 = arith.constant 0 : index
    %get3A_60 = arith.constant 0 : index
    %get3A_61 = vector.load %arg2[%get3A_58, %get3A_59, %get3A_60] : memref<2x1024x1024xi32, #tpu.memory_space<vmem>>, vector<1x1024x1024xi32>
    %get3A_62 = vector.shape_cast %get3A_61 : vector<1x1024x1024xi32> to vector<1024x1024xi32>
    %convert_element_type3A_63 = arith.sitofp %get3A_62 : vector<1024x1024xi32> to vector<1024x1024xf32>
    %mul3A_64 = arith.mulf %convert_element_type3A_63, %reshape3A_57 : vector<1024x1024xf32>
    %convert_element_type3A_65 = arith.truncf %mul3A_64 : vector<1024x1024xf32> to vector<1024x1024xbf16>
    %dot_general3A_66 = arith.constant dense<0.000000e+00> : vector<128x1024xf32>
    %dot_general3A_67 = tpu.matmul %convert_element_type3A_48, %convert_element_type3A_65, %dot_general3A_66 {dimension_numbers = #tpu.dot_dimension_numbers<[1], [0], [0], [1], [0, 0, 1, 1], [], []>, transpose_lhs_hint = false} : vector<128x1024xbf16>, vector<1024x1024xbf16>, vector<128x1024xf32> -> vector<128x1024xf32>
    %get3A_68 = arith.constant 1 : index
    %get3A_69 = arith.constant 0 : index
    %get3A_70 = arith.constant 0 : index
    %get3A_71 = vector.load %arg4[%get3A_68, %get3A_69, %get3A_70] : memref<2x1x1024xf32, #tpu.memory_space<vmem>>, vector<1x1x1024xf32>
    %get3A_72 = vector.shape_cast %get3A_71 : vector<1x1x1024xf32> to vector<1x1024xf32>
    %add3A_73 = vector.broadcast %get3A_72 : vector<1x1024xf32> to vector<128x1024xf32>
    %add3A_74 = arith.addf %dot_general3A_67, %add3A_73 : vector<128x1024xf32>
    %convert_element_type3A_75 = arith.truncf %add3A_74 : vector<128x1024xf32> to vector<128x1024xbf16>
    %convert_element_type3A_76 = arith.extf %convert_element_type3A_75 : vector<128x1024xbf16> to vector<128x1024xf32>
    %bitcast_convert_type3A_77 = tpu.bitcast %convert_element_type3A_76 : vector<128x1024xf32> -> vector<128x1024xi32>
    %slice3A_78 = vector.extract_strided_slice %bitcast_convert_type3A_77 {offsets = [0, 0], sizes = [128, 512], strides = [1, 1]} : vector<128x1024xi32> to vector<128x512xi32>
    %shift_right_logical3A_79 = arith.constant 16 : i32
    %shift_right_logical3A_80 = vector.broadcast %shift_right_logical3A_79 : i32 to vector<128x512xi32>
    %shift_right_logical3A_81 = arith.shrui %slice3A_78, %shift_right_logical3A_80 : vector<128x512xi32>
    %slice3A_82 = vector.extract_strided_slice %bitcast_convert_type3A_77 {offsets = [0, 512], sizes = [128, 512], strides = [1, 1]} : vector<128x1024xi32> to vector<128x512xi32>
    %or3A_83 = arith.ori %shift_right_logical3A_81, %slice3A_82 : vector<128x512xi32>
    %swap3A_84 = arith.constant 128 : index
    %swap3A_85 = arith.constant 0 : index
    %swap3A_86 = vector.load %arg5[%swap3A_84, %swap3A_85] : memref<256x512xi32, #tpu.memory_space<vmem>>, vector<128x512xi32>
    tpu.vector_store %arg5[%swap3A_84, %swap3A_85], %or3A_83 {strides = array<i32>} : memref<256x512xi32, #tpu.memory_space<vmem>>, vector<128x512xi32>,
    return
  }
  func.func @transform_0(%arg0: i32) -> (i32, i32) {
    %c0_i32 = arith.constant 0 : i32
    %c0_i32_0 = arith.constant 0 : i32
    return %arg0, %c0_i32 : i32, i32
  }
  func.func @transform_1(%arg0: i32) -> (i32, i32, i32) {
    %c0_i32 = arith.constant 0 : i32
    %c0_i32_0 = arith.constant 0 : i32
    %c0_i32_1 = arith.constant 0 : i32
    return %arg0, %c0_i32, %c0_i32_0 : i32, i32, i32
  }
  func.func @transform_2(%arg0: i32) -> (i32, i32, i32) {
    %c0_i32 = arith.constant 0 : i32
    %c0_i32_0 = arith.constant 0 : i32
    %c0_i32_1 = arith.constant 0 : i32
    return %arg0, %c0_i32, %c0_i32_0 : i32, i32, i32
  }
  func.func @transform_3(%arg0: i32) -> (i32, i32, i32) {
    %c0_i32 = arith.constant 0 : i32
    %c0_i32_0 = arith.constant 0 : i32
    %c0_i32_1 = arith.constant 0 : i32
    return %arg0, %c0_i32, %c0_i32_0 : i32, i32, i32
  }
  func.func @transform_4(%arg0: i32) -> (i32, i32) {
    %c0_i32 = arith.constant 0 : i32
    %c0_i32_0 = arith.constant 0 : i32
    return %arg0, %c0_i32 : i32, i32
  }
}

module attributes {stable_mosaic.version = 14 : i64} {
  func.func @_combine_body(%arg0: i32, %arg1: memref<1024x1024xi32, #tpu.memory_space<vmem>>, %arg2: memref<1024x2xf32, #tpu.memory_space<vmem>>, %arg3: memref<1024x1024xf32, #tpu.memory_space<vmem>>, %arg4: memref<1x1xf32, #tpu.memory_space<vmem>>, %arg5: memref<1024x1024xbf16, #tpu.memory_space<vmem>>) attributes {dimension_semantics = [#tpu.dimension_semantics<arbitrary>], iteration_bounds = array<i64: 4>, scalar_prefetch = 0 : i64, scratch_operands = 0 : i64, tpu.core_type = #tpu.core_type<tc>, window_params = [{transform_indices = @transform_0, window_bounds = array<i64: 1024, 1024>}, {transform_indices = @transform_1, window_bounds = array<i64: 1024, 2>}, {transform_indices = @transform_2, window_bounds = array<i64: 1024, 1024>}, {pipeline_mode = #tpu.pipeline_mode<synchronous>, transform_indices = @transform_3, window_bounds = array<i64: 1, 1>}, {transform_indices = @transform_4, window_bounds = array<i64: 1024, 1024>}]} {
    %get3A = arith.constant 0 : index
    %get3A_0 = arith.constant 0 : index
    %get3A_1 = vector.load %arg2[%get3A, %get3A_0] : memref<1024x2xf32, #tpu.memory_space<vmem>>, vector<1024x2xf32>
    %get3A_2 = arith.constant 0 : index
    %get3A_3 = arith.constant 0 : index
    %get3A_4 = vector.load %arg4[%get3A_2, %get3A_3] : memref<1x1xf32, #tpu.memory_space<vmem>>, vector<1x1xf32>
    %get3A_5 = vector.extract %get3A_4[0, 0] : f32 from vector<1x1xf32>
    %slice3A = vector.extract_strided_slice %get3A_1 {offsets = [0, 0], sizes = [1024, 1], strides = [1, 1]} : vector<1024x2xf32> to vector<1024x1xf32>
    %slice3A_6 = vector.extract_strided_slice %get3A_1 {offsets = [0, 1], sizes = [1024, 1], strides = [1, 1]} : vector<1024x2xf32> to vector<1024x1xf32>
    %add3A = arith.addf %slice3A, %slice3A_6 : vector<1024x1xf32>
    %max3A = arith.constant 9.99999996E-13 : f32
    %max3A_7 = vector.broadcast %max3A : f32 to vector<1024x1xf32>
    %max3A_8 = arith.maximumf %add3A, %max3A_7 : vector<1024x1xf32>
    %div3A = vector.broadcast %get3A_5 : f32 to vector<1024x1xf32>
    %div3A_9 = arith.divf %div3A, %max3A_8 : vector<1024x1xf32>
    %mul3A = vector.broadcast %div3A_9 : vector<1024x1xf32> to vector<1024x2xf32>
    %mul3A_10 = arith.mulf %get3A_1, %mul3A : vector<1024x2xf32>
    %get3A_11 = arith.constant 0 : index
    %get3A_12 = arith.constant 0 : index
    %get3A_13 = vector.load %arg1[%get3A_11, %get3A_12] : memref<1024x1024xi32, #tpu.memory_space<vmem>>, vector<1024x1024xi32>
    %slice3A_14 = vector.extract_strided_slice %get3A_13 {offsets = [0, 0], sizes = [1024, 512], strides = [1, 1]} : vector<1024x1024xi32> to vector<1024x512xi32>
    %shift_left3A = arith.constant 16 : i32
    %shift_left3A_15 = vector.broadcast %shift_left3A : i32 to vector<1024x512xi32>
    %shift_left3A_16 = arith.shli %slice3A_14, %shift_left3A_15 : vector<1024x512xi32>
    %bitcast_convert_type3A = tpu.bitcast %shift_left3A_16 : vector<1024x512xi32> -> vector<1024x512xf32>
    %and3A = arith.constant -65536 : i32
    %and3A_17 = vector.broadcast %and3A : i32 to vector<1024x512xi32>
    %and3A_18 = arith.andi %slice3A_14, %and3A_17 : vector<1024x512xi32>
    %bitcast_convert_type3A_19 = tpu.bitcast %and3A_18 : vector<1024x512xi32> -> vector<1024x512xf32>
    %slice3A_20 = vector.extract_strided_slice %get3A_13 {offsets = [0, 512], sizes = [1024, 512], strides = [1, 1]} : vector<1024x1024xi32> to vector<1024x512xi32>
    %shift_left3A_21 = arith.constant 16 : i32
    %shift_left3A_22 = vector.broadcast %shift_left3A_21 : i32 to vector<1024x512xi32>
    %shift_left3A_23 = arith.shli %slice3A_20, %shift_left3A_22 : vector<1024x512xi32>
    %bitcast_convert_type3A_24 = tpu.bitcast %shift_left3A_23 : vector<1024x512xi32> -> vector<1024x512xf32>
    %and3A_25 = arith.constant -65536 : i32
    %and3A_26 = vector.broadcast %and3A_25 : i32 to vector<1024x512xi32>
    %and3A_27 = arith.andi %slice3A_20, %and3A_26 : vector<1024x512xi32>
    %bitcast_convert_type3A_28 = tpu.bitcast %and3A_27 : vector<1024x512xi32> -> vector<1024x512xf32>
    %slice3A_29 = vector.extract_strided_slice %mul3A_10 {offsets = [0, 0], sizes = [1024, 1], strides = [1, 1]} : vector<1024x2xf32> to vector<1024x1xf32>
    %slice3A_30 = vector.extract_strided_slice %mul3A_10 {offsets = [0, 1], sizes = [1024, 1], strides = [1, 1]} : vector<1024x2xf32> to vector<1024x1xf32>
    %get3A_31 = arith.constant 0 : index
    %get3A_32 = arith.constant 0 : index
    %get3A_33 = vector.load %arg3[%get3A_31, %get3A_32] : memref<1024x1024xf32, #tpu.memory_space<vmem>>, vector<1024x1024xf32>
    %mul3A_34 = vector.broadcast %slice3A_29 : vector<1024x1xf32> to vector<1024x512xf32>
    %mul3A_35 = arith.mulf %mul3A_34, %bitcast_convert_type3A : vector<1024x512xf32>
    %mul3A_36 = vector.broadcast %slice3A_30 : vector<1024x1xf32> to vector<1024x512xf32>
    %mul3A_37 = arith.mulf %mul3A_36, %bitcast_convert_type3A_24 : vector<1024x512xf32>
    %add3A_38 = arith.addf %mul3A_35, %mul3A_37 : vector<1024x512xf32>
    %slice3A_39 = vector.extract_strided_slice %get3A_33 {offsets = [0, 0], sizes = [1024, 512], strides = [1, 1]} : vector<1024x1024xf32> to vector<1024x512xf32>
    %add3A_40 = arith.addf %add3A_38, %slice3A_39 : vector<1024x512xf32>
    %mul3A_41 = vector.broadcast %slice3A_29 : vector<1024x1xf32> to vector<1024x512xf32>
    %mul3A_42 = arith.mulf %mul3A_41, %bitcast_convert_type3A_19 : vector<1024x512xf32>
    %mul3A_43 = vector.broadcast %slice3A_30 : vector<1024x1xf32> to vector<1024x512xf32>
    %mul3A_44 = arith.mulf %mul3A_43, %bitcast_convert_type3A_28 : vector<1024x512xf32>
    %add3A_45 = arith.addf %mul3A_42, %mul3A_44 : vector<1024x512xf32>
    %slice3A_46 = vector.extract_strided_slice %get3A_33 {offsets = [0, 512], sizes = [1024, 512], strides = [1, 1]} : vector<1024x1024xf32> to vector<1024x512xf32>
    %add3A_47 = arith.addf %add3A_45, %slice3A_46 : vector<1024x512xf32>
    %concatenate3A = tpu.concatenate %add3A_40, %add3A_47 in 1 : vector<1024x512xf32>, vector<1024x512xf32> -> vector<1024x1024xf32>
    %convert_element_type3A = arith.truncf %concatenate3A : vector<1024x1024xf32> to vector<1024x1024xbf16>
    %swap3A = arith.constant 0 : index
    %swap3A_48 = arith.constant 0 : index
    %swap3A_49 = vector.load %arg5[%swap3A, %swap3A_48] : memref<1024x1024xbf16, #tpu.memory_space<vmem>>, vector<1024x1024xbf16>
    tpu.vector_store %arg5[%swap3A, %swap3A_48], %convert_element_type3A {strides = array<i32>} : memref<1024x1024xbf16, #tpu.memory_space<vmem>>, vector<1024x1024xbf16>,
    return
  }
  func.func @transform_0(%arg0: i32) -> (i32, i32) {
    %c0_i32 = arith.constant 0 : i32
    %c0_i32_0 = arith.constant 0 : i32
    return %arg0, %c0_i32 : i32, i32
  }
  func.func @transform_1(%arg0: i32) -> (i32, i32) {
    %c0_i32 = arith.constant 0 : i32
    %c0_i32_0 = arith.constant 0 : i32
    return %arg0, %c0_i32 : i32, i32
  }
  func.func @transform_2(%arg0: i32) -> (i32, i32) {
    %c0_i32 = arith.constant 0 : i32
    %c0_i32_0 = arith.constant 0 : i32
    return %arg0, %c0_i32 : i32, i32
  }
  func.func @transform_3(%arg0: i32) -> (i32, i32) {
    %c0_i32 = arith.constant 0 : i32
    %c0_i32_0 = arith.constant 0 : i32
    %c0_i32_1 = arith.constant 0 : i32
    return %c0_i32, %c0_i32_0 : i32, i32
  }
  func.func @transform_4(%arg0: i32) -> (i32, i32) {
    %c0_i32 = arith.constant 0 : i32
    %c0_i32_0 = arith.constant 0 : i32
    return %arg0, %c0_i32 : i32, i32
  }
}

</mosaic_0001>

<sc_bundles>
// kernel: kernel.10.cloned.1.call-start
scs
__scs_entry_jumppad:
0x0: {  	(pc) =	sbr.rel $0x88, $3  }
0x1: {  	(tag) =	ssettag $0x0;
	lr =	simm.s32 $0x1  }
0x2: {  	[smem:$0x3F97] =	sst lr;
	_ =	strace $0xD0000000  }
0x3: {  	_ = 	snop  }
0x4: {  	_ = 	snop  }
0x5: {  	_ = 	snop  }
0x6: {  	_ = 	snop  }
0x7: {  	_ = 	snop  }
__scs_overlays_trampoline_lowered:
0x8: {  	[smem:$0x3FA6] =	sst s0  }
0x9: {  	[smem:$0x3FA7] =	sst s1  }
0xa: {  	[smem:$0x3FA8] =	sst s2  }
0xb: {  	[smem:$0x3FA9] =	sst s3  }
0xc: {  	[smem:$0x3FAA] =	sst s4  }
0xd: {  	[smem:$0x3FAB] =	sst s5  }
0xe: {  	[smem:$0x3FAC] =	sst s6  }
0xf: {  	[smem:$0x3FAD] =	sst s7  }
0x10: {  	[smem:$0x3FAE] =	sst s8  }
0x11: {  	[smem:$0x3FAF] =	sst s9;
	s0 =	simm.s32 @!p0 $0x0  }
0x12: {  	s1 =	sld [smem:$0x3F95];
	s0 =	simm.s32 @p0 $0x1  }
0x13: {  	[smem:$0x3FB0] =	sst s0;
	s0 =	simm.s32 @!p1 $0x0  }
0x14: {  	s2 =	sld [smem:$0x3F94];
	s0 =	simm.s32 @p1 $0x1  }
0x15: {  	[smem:$0x3FB1] =	sst s0;
	s0 =	simm.s32 @!p2 $0x0  }
0x16: {  	s3 =	sld [smem:$0x3FDB];
	s0 =	simm.s32 @p2 $0x1  }
0x17: {  	s4 =	simm.s32 $0x1BF5;
	[smem:$0x3FB3] =	sst s0  }
0x18: {  	s0 =	sld [smem:$0x3F96];
	_ =	swait.ge [sflag:s4], $0x0  }
0x19: {  	s7 =	sld [smem:$0x3F97]  }
0x1a: {  	s8 =	sadd.s32 $0xFFFFE003, lr  }
0x1b: {  	s9 =	sadd.s32 $0xFFFFFEF7, lr;
	s5 =	simm.s32 $0xFFFFFFFF;
	p2 =	slt.u32 s8, $0xFFFFF086  }
0x1c: {  	p1 =	slt.u32 s9, $0xF7A;
	s5 =	simm.s32 @!p2 $0x0  }
0x1d: {  	s5 =	simm.s32 @p1 $0x1;
	p0 =	seq.s32 s7, s2  }
0x1e: {  	s7 =	smul.u32 @!p0 $0xF7A, s2;
	p2 =	seq.s32 @!p0 s5, $0x0  }
0x1f: {  	s9 =	smul.u32 $0xF7A, s1;
	s8 =	simm.s32 @!p0 $0x1BF5;
	p2 =	por !p2, p0  }
0x20: {  	[sflag:s8] =	ssyncset.s32 @!p0 $0xFFFFF086;
	s6 =	sadd.s32 @!p0 s3, s7;
	s7 =	simm.s32 @!p0 $0x108  }
0x21: {  	s3 =	sadd.s32 s3, s9;
	s6 =	sadd.s32 @!p0 $0x88, s6;
	s7 =	simm.s32 @p2 $0x1082  }
0x22: {  	[simem:s7], [sflag:s8] =	dma.local @!p0 [hbm:s6], $0xF7A  }
0x23: {  	s9 =	sor.u32 $0xD0000000, s2;
	s6 =	simm.s32 $0x108;
	_ =	swait.ge @!p0 [sflag:s8], $0x0  }
0x24: {  	s3 =	sadd.s32 $0x88, s3;
	s6 =	simm.s32 @!p1 $0x1082;
	[sflag:s4] =	ssyncset.s32 $0xFFFFF086  }
0x25: {  	[simem:s6], [sflag:s4] =	dma.local [hbm:s3], $0xF7A  }
0x26: {  	[smem:$0x3F97] =	sst s1;
	(tag) =	ssettag s2;
	_ =	strace s9  }
0x27: {  	s1 =	sld [smem:$0x3FA7]  }
0x28: {  	s2 =	sld [smem:$0x3FA8]  }
0x29: {  	s4 =	sld [smem:$0x3FAA]  }
0x2a: {  	p0 =	seq.s32 s5, $0x0;
	s5 =	sld [smem:$0x3FAB]  }
0x2b: {  	s6 =	sld [smem:$0x3FAC]  }
0x2c: {  	s7 =	sld [smem:$0x3FAD]  }
0x2d: {  	s3 =	simm.s32 $0x108;
	s8 =	sld [smem:$0x3FAE]  }
0x2e: {  	s3 =	simm.s32 @!p0 $0x1082;
	s9 =	sld [smem:$0x3FAF]  }
0x2f: {  	lr =	sadd.s32 s0, s3;
	s0 =	sld [smem:$0x3FA6]  }
0x30: {  	s3 =	sld [smem:$0x3FA9]  }
0x31: {  	[smem:$0x3FB2] =	sst s10  }
0x32: {  	s10 =	sld [smem:$0x3FB0];
	_ =	sdelay $0x3  }
0x33: {  	p0 =	seq.s32 s10, $0x1;
	s10 =	sld [smem:$0x3FB2];
	_ =	sdelay $0x3  }
0x34: {  	[smem:$0x3FB2] =	sst s10  }
0x35: {  	s10 =	sld [smem:$0x3FB1];
	_ =	sdelay $0x3  }
0x36: {  	p1 =	seq.s32 s10, $0x1;
	s10 =	sld [smem:$0x3FB2];
	_ =	sdelay $0x3  }
0x37: {  	[smem:$0x3FB2] =	sst s10  }
0x38: {  	s10 =	sld [smem:$0x3FB3]  }
0x39: {  	_ = 	snop;
	(pc) =	sbr.ind lr, $3  }
0x3a: {  	_ = 	snop  }
0x3b: {  	_ = 	snop  }
0x3c: {  	p2 =	seq.s32 s10, $0x1;
	s10 =	sld [smem:$0x3FB2]  }
0x3d: {  	_ =	shalt  }
0x3e: {  	_ =	shalt  }
0x3f: {  	_ =	shalt  }
0x40: {  	_ =	shalt  }
0x41: {  	_ =	shalt  }
0x42: {  	_ =	shalt  }
0x43: {  	_ =	shalt  }
0x44: {  	_ =	shalt  }
0x45: {  	_ =	shalt  }
0x46: {  	_ =	shalt  }
0x47: {  	_ =	shalt  }
0x48: {  	_ =	shalt  }
0x49: {  	_ =	shalt  }
0x4a: {  	_ =	shalt  }
0x4b: {  	_ =	shalt  }
0x4c: {  	_ =	shalt  }
0x4d: {  	_ =	shalt  }
0x4e: {  	_ =	shalt  }
0x4f: {  	_ =	shalt  }
0x50: {  	_ =	shalt  }
0x51: {  	_ =	shalt  }
0x52: {  	_ =	shalt  }
0x53: {  	_ =	shalt  }
0x54: {  	_ =	shalt  }
0x55: {  	_ =	shalt  }
0x56: {  	_ =	shalt  }
0x57: {  	_ =	shalt  }
0x58: {  	_ =	shalt  }
0x59: {  	_ =	shalt  }
0x5a: {  	_ =	shalt  }
0x5b: {  	_ =	shalt  }
0x5c: {  	_ =	shalt  }
0x5d: {  	_ =	shalt  }
0x5e: {  	_ =	shalt  }
0x5f: {  	_ =	shalt  }
0x60: {  	_ =	shalt  }
0x61: {  	_ =	shalt  }
0x62: {  	_ =	shalt  }
0x63: {  	_ =	shalt  }
0x64: {  	_ =	shalt  }
0x65: {  	_ =	shalt  }
0x66: {  	_ =	shalt  }
0x67: {  	_ =	shalt  }
0x68: {  	_ =	shalt  }
0x69: {  	_ =	shalt  }
0x6a: {  	_ =	shalt  }
0x6b: {  	_ =	shalt  }
0x6c: {  	_ =	shalt  }
0x6d: {  	_ =	shalt  }
0x6e: {  	_ =	shalt  }
0x6f: {  	_ =	shalt  }
0x70: {  	_ =	shalt  }
0x71: {  	_ =	shalt  }
0x72: {  	_ =	shalt  }
0x73: {  	_ =	shalt  }
0x74: {  	_ =	shalt  }
0x75: {  	_ =	shalt  }
0x76: {  	_ =	shalt  }
0x77: {  	_ =	shalt  }
0x78: {  	_ =	shalt  }
0x79: {  	_ =	shalt  }
0x7a: {  	_ =	shalt  }
0x7b: {  	_ =	shalt  }
0x7c: {  	_ =	shalt  }
0x7d: {  	_ =	shalt  }
0x7e: {  	_ =	shalt  }
0x7f: {  	_ =	shalt  }
0x80: {  	_ =	shalt  }
0x81: {  	_ =	shalt  }
0x82: {  	_ =	shalt  }
0x83: {  	_ =	shalt  }
0x84: {  	_ =	shalt  }
0x85: {  	_ =	shalt  }
0x86: {  	_ =	shalt  }
0x87: {  	_ =	shalt  }
.Lfunc_end0:
.L_simem_size_0:
called_computation.1_lowered:
.L_overlay_start_0:
0x88: {  	s2 =	sld [smem:$0x3FD9]  }
0x89: {  	s3 =	sld [smem:$0x3FFE];
	_ =	sdelay $0x1  }
0x8a: {  	s1 =	srdreg.scid  }
0x8b: {  	s0 =	sand.u32 $0x1, s1  }
0x8c: {  	s16 =	sshll.u32 s0, $0xA;
	s2 =	sadd.s32 s3, s2  }
0x8d: {  	s2 =	sadd.s32 s2, s16  }
0x8e: {  	[smem:$0x3FBE] =	sst s2  }
0x8f: {  	_ = 	snop  }
0x90: {  	(tm) =	ssettm $0x1  }
0x91: {  	s17 =	sld [smem:$0x3FFB];
	_ =	sdelay $0x3  }
0x92: {  	_ =	strace s17  }
0x93: {  	s2 =	sld [smem:$0x3FFC];
	_ =	sdelay $0x3  }
0x94: {  	_ =	strace s2  }
0x95: {  	s2 =	sld [smem:$0x3FFD];
	_ =	sdelay $0x3  }
0x96: {  	_ =	strace s2  }
0x97: {  	_ =	strace $0x8FFFFFFF  }
0x98: {  	s18 =	sld [smem:$0x3FDB];
	_ =	sdelay $0x1  }
0x99: {  	s19 =	simm.s32 $_scs_section_size  }
0x9a: {  	s4 =	simm.s32 $_size__tile_overlayer_lowered;
	s5 =	simm.s32 $_tile_overlayer_lowered  }
0x9b: {  	s22 =	simm.s32 $0x1BFF;
	s21 =	sshll.u32 s5, $0x1;
	s2 =	sadd.s32 s19, s18  }
0x9c: {  	s6 =	simm.s32 $0x0;
	s20 =	sshll.u32 s4, $0x1;
	s4 =	sadd.s32 s21, s2  }
0x9d: {  	[timem:s6], [sflag:s22] =	dma.local [hbm:s4], s20  }
0x9e: {  	_ =	swait.ge [sflag:s22], s20  }
0x9f: {  	s3 =	ssub.s32 $0x0, s20;
	[sflag:s22] =	ssyncset.done $0x0  }
0xa0: {  	[sflag:s22] =	ssyncadd.s32 s3;
	_ =	sdelay $0x1  }
0xa1: {  	s23 =	simm.s32 $0x1B8B  }
0xa2: {  	_ =	swait.ge [sflag:s23], $0x1  }
0xa3: {  	[sflag:s23] =	ssyncset.done $0x0  }
0xa4: {  	s25 =	simm.s32 $0x1B8E;
	s24 =	sld [smem:$0x3FFE];
	[sflag:s23] =	ssyncadd.s32 $0xFFFFFFFF  }
0xa5: {  	s26 =	simm.s32 $execute0_lowered;
	[smem:$0x3FD2] =	sst s25  }
0xa6: {  	s4 =	sshll.u32 s26, $0x1;
	_ =	strace $0x80000049;
	[dreg:$0x1] =	wrdreg $0xFFFFFFFF  }
0xa7: {  	s28 =	simm.s32 $_size_execute0_lowered;
	s2 =	sadd.s32 s2, s4;
	[dreg:$0x0] =	wrdreg $0x0  }
0xa8: {  	s4 =	sshll.u32 s28, $0x1;
	[dreg:$0x2] =	wrdreg s2  }
0xa9: {  	[dreg:$0x3] =	wrdreg s4  }
0xaa: {  	[dreg:$0x4] =	wrdreg $0xC0  }
0xab: {  	_ =	task [dreg:s6], $0x5FFFF  }
0xac: {  	[dreg:$0x1] =	wrdreg $0xFFFFFFFF  }
0xad: {  	[dreg:$0x0] =	wrdreg $0x60  }
0xae: {  	[dreg:$0x2] =	wrdreg s24  }
0xaf: {  	[dreg:$0x3] =	wrdreg $0x9  }
0xb0: {  	_ =	task.clear_ibuf [dreg:s6], $0x4FFFF;
	_ =	strace $0x90000049  }
0xb1: {  	s29 =	simm.s32 $0x9;
	_ =	strace $0x8000004B  }
0xb2: {  	_ =	swait.ge [sflag:s29], $0x1  }
0xb3: {  	[sflag:s29] =	ssyncadd.s32 $0xFFFFFFFF  }
0xb4: {  	_ =	strace $0x9000004B  }
0xb5: {  	_ =	sfence  }
0xb6: {  	s30 =	sld [smem:$0x0];
	_ =	sdelay $0x2  }
0xb7: {  	s31 =	sshll.u32 s1, $0xD;
	s1 =	sshrl.u32 s1, $0x2  }
0xb8: {  	s3 =	sand.u32 $0x4000, s31;
	s1 =	sadd.s32 s1, s30  }
0xb9: {  	s0 =	sor.u32 s3, s0;
	s1 =	sshll.u32 s1, $0x11  }
0xba: {  	s0 =	sor.u32 s1, s0  }
0xbb: {  	s0 =	sadd.s32 $0x8F2B, s0  }
0xbc: {  	[sflag:s0] =	ssyncadd.remote.s32 $0x1  }
0xbd: {  	_ =	sfence.sel $0xFFFF  }
0xbe: {  	[dreg:$0x0] =	wrdreg $0xFFFFFFFF;
	(pc) =	sbr.abs _section_cstart, $3  }
0xbf: {  	[dreg:$0x1] =	wrdreg $0xFFFFFFFF  }
0xc0: {  	_ =	task.clear_ibuf [dreg:s6], $0x2FFFF;
	_ =	strace $0x9FFFFFFF  }
0xc1: {  	(tm) =	ssettm $0x7FFFFFFF  }
tec
execute0_lowered:
.L_overlay_start_1:
0x0: {  	(tag) =	ssettag $0x1  }
0x1: {  	s1 =	srdreg.scid;
	s0 =	stileid.u32  }
0x2: {  	s1 =	sand.u32 $0x1, s1;
	s2 =	sshll.u32 s0, $0x1  }
0x3: {  	s4 =	rddreg [dreg:$0x0];
	s3 =	sor.u32 s1, s2;
	s2 =	simm.s32 $0x0  }
0x4: {  	s20 =	simm.s32 $0x8A00;
	[smem:$0x7FF] =	sst s2  }
0x5: {  	s21 =	simm.s32 $0x9200;
	_ =	strace $0x8000004A;
	[dreg:$0x7] =	wrdreg s20  }
0x6: {  	s22 =	simm.s32 $0x9A00;
	[dreg:$0x8] =	wrdreg s21  }
0x7: {  	s23 =	simm.s32 $0xA200;
	[dreg:$0x9] =	wrdreg s22  }
0x8: {  	s24 =	simm.s32 $0xAA00;
	s25 =	simm.s32 $0xB200;
	[dreg:$0xa] =	wrdreg s23  }
0x9: {  	s26 =	simm.s32 $0xBA00;
	s7 =	simm.s32 $0xD200;
	[dreg:$0xb] =	wrdreg s24  }
0xa: {  	s8 =	simm.s32 $0xDA00;
	s9 =	simm.s32 $0xE200;
	[dreg:$0xc] =	wrdreg s25  }
0xb: {  	s10 =	simm.s32 $0xEA00;
	s0 =	simm.s32 $0xC200;
	[dreg:$0xd] =	wrdreg s26  }
0xc: {  	s11 =	simm.s32 $0xF200;
	s12 =	simm.s32 $0xFA00;
	[dreg:$0xe] =	wrdreg s0  }
0xd: {  	s13 =	simm.s32 $0x10A00;
	s14 =	simm.s32 $0x11200;
	[dreg:$0x10] =	wrdreg s7  }
0xe: {  	s15 =	simm.s32 $0x11A00;
	s16 =	simm.s32 $0x12200;
	[dreg:$0x11] =	wrdreg s8  }
0xf: {  	s28 =	simm.s32 $0x4;
	s29 =	simm.s32 $0x2;
	[dreg:$0x12] =	wrdreg s9  }
0x10: {  	s30 =	simm.s32 $0x3;
	s31 =	simm.s32 $0x5;
	[dreg:$0x13] =	wrdreg s10  }
0x11: {  	s1 =	ssub.s32 $0x2, s1;
	s5 =	sshll.u32 s3, $0x6;
	[dreg:$0x14] =	wrdreg s11  }
0x12: {  	s3 =	sshll.u32 s3, $0xE;
	s6 =	sshrl.u32 s1, $0x1;
	[dreg:$0x15] =	wrdreg s12  }
0x13: {  	s5 =	sadd.s32 s5, s4;
	s3 =	sadd.s32 s3, s4;
	[dreg:$0x16] =	wrdreg s13  }
0x14: {  	s1 =	ssub.s32 s1, s6;
	s6 =	simm.s32 $0xCA00;
	[dreg:$0x17] =	wrdreg s14  }
0x15: {  	s7 =	simm.s32 $0x200;
	s8 =	simm.s32 $0xA00;
	[dreg:$0x18] =	wrdreg s15  }
0x16: {  	s9 =	simm.s32 $0x1200;
	s10 =	simm.s32 $0x1A00;
	[dreg:$0x19] =	wrdreg s16  }
0x17: {  	s11 =	simm.s32 $0x2200;
	s20 =	simm.s32 $0x14200;
	[dreg:$0xf] =	wrdreg s6  }
0x18: {  	s12 =	simm.s32 $0x2A00;
	s21 =	simm.s32 $0x14A00;
	[dreg:$0x1d] =	wrdreg s20  }
0x19: {  	s13 =	simm.s32 $0x3200;
	s22 =	simm.s32 $0x15200;
	[dreg:$0x1e] =	wrdreg s21  }
0x1a: {  	s14 =	simm.s32 $0x3A00;
	s23 =	simm.s32 $0x15A00;
	[dreg:$0x1f] =	wrdreg s22  }
0x1b: {  	s15 =	simm.s32 $0x4200;
	s24 =	simm.s32 $0x16200;
	[smem:$0x7FA] =	sst s23  }
0x1c: {  	s16 =	simm.s32 $0x4A00;
	s25 =	simm.s32 $0x16A00;
	[smem:$0x7FB] =	sst s24  }
0x1d: {  	s26 =	simm.s32 $0x17200;
	s5 =	sadd.s32 $0x81C00, s5;
	[smem:$0x7FC] =	sst s25  }
0x1e: {  	s17 =	sadd.s32 $0x82400, s3;
	s18 =	sadd.s32 $0x83400, s3;
	[smem:$0x7FD] =	sst s26  }
0x1f: {  	s19 =	sadd.s32 $0x84400, s3;
	s3 =	sadd.s32 $0x85400, s3;
	[dreg:$0x2] =	wrdreg s5  }
0x20: {  	s6 =	simm.s32 $0x7;
	s20 =	simm.s32 $0x6A00;
	[dreg:$0x3] =	wrdreg s17  }
0x21: {  	s21 =	simm.s32 $0x7200;
	s22 =	simm.s32 $0x7A00;
	[dreg:$0x4] =	wrdreg s18  }
0x22: {  	s23 =	simm.s32 $0x8200;
	s24 =	simm.s32 $0x10200;
	[dreg:$0x5] =	wrdreg s19  }
0x23: {  	s26 =	simm.s32 $0x1;
	[dreg:$0x6] =	wrdreg s3;
	s3 =	sadd.s32 $0x1400, s4  }
0x24: {  	s4 =	sadd.s32 $0x1500, s4;
	s5 =	smax.u32 s1, $0x1;
	s17 =	simm.s32 $0x12A00  }
0x25: {  	v2 =	vlaneseq.u32;
	s18 =	simm.s32 $0x13200;
	s19 =	simm.s32 $0x13A00;
	[dreg:$0x1a] =	wrdreg s17  }
0x26: {  	vm0 =	vmmov $0xffff;
	v1 =	vshrl.u32 v2, $0x3;
	s1 =	simm.s32 $0x6;
	[dreg:$0x1b] =	wrdreg s18;
	s17 =	simm.s32 $0x5200  }
0x27: {  	v0 =	vand.u32 $0x7, v2;
	v2 =	vor.u32 $0x8, v2;
	v1 =	vmul.u32 $0x8, v1;
	[dreg:$0x1c] =	wrdreg s19;
	s18 =	simm.s32 $0x5A00;
	s19 =	simm.s32 $0x6200  }
.LBB2_1:
0x28: {  	s0 =	rddreg [dreg:$0x2]  }
0x29: {  	[tilespmem:s2], [sflag:$0x7] =	stream.linear.gather [hbm4b:s0+s2], $0x200, $0x38;
	[tilespmem:$0x18200] =	vst v63  }
0x2a: {  	_ =	swait.ge [sflag:s6], $0x200  }
0x2b: {  	[sflag:s6] =	ssyncset.done $0x0  }
0x2c: {  	[sflag:s6] =	ssyncadd.s32 $0xFFFFFE00  }
0x2d: {  	v3 =	vld [tilespmem:$0x0];
	_ =	sdelay $0x4  }
0x2e: {  	v4 =	vshll.u32 v3, $0x2  }
0x2f: {  	v3 =	vand.u32 $0x7, v3;
	v4 =	vand.u32 $0xFFFFFFE0, v4  }
0x30: {  	v3 =	vor.u32 v3, v4  }
0x31: {  	v4 =	vperm.xlane v3, v0;
	_ =	sdelay $0x1  }
0x32: {  	v4 =	vadd.s32 v1, v4;
	_ =	sdelay $0x1  }
0x33: {  	v3 =	vperm.xlane v3, v2;
	_ =	sdelay $0x1  }
0x34: {  	v3 =	vadd.s32 v1, v3  }
0x35: {  	[tilespmem:s7], [sflag:$0x1] =	stream.indirect_vreg.gather [hbm4b:s3+s2], $0x80, v4, vm0, $0xb8;
	[tilespmem:$0x18200] =	vst v63  }
0x36: {  	_ = 	snop  }
0x37: {  	[tilespmem:s8], [sflag:$0x1] =	stream.indirect_vreg.gather [hbm4b:s4+s2], $0x80, v4, vm0, $0xb8;
	[tilespmem:$0x18200] =	vst v63  }
0x38: {  	_ = 	snop  }
0x39: {  	[tilespmem:s9], [sflag:$0x1] =	stream.indirect_vreg.gather [hbm4b:s3+s2], $0x80, v3, vm0, $0xb8;
	[tilespmem:$0x18200] =	vst v63  }
0x3a: {  	_ = 	snop  }
0x3b: {  	[tilespmem:s10], [sflag:$0x1] =	stream.indirect_vreg.gather [hbm4b:s4+s2], $0x80, v3, vm0, $0xb8;
	[tilespmem:$0x18200] =	vst v63  }
0x3c: {  	v3 =	vld [tilespmem:$0x10];
	_ =	sdelay $0x4  }
0x3d: {  	v49 =	vshll.u32 v3, $0x2  }
0x3e: {  	v3 =	vand.u32 $0x7, v3;
	v4 =	vand.u32 $0xFFFFFFE0, v49  }
0x3f: {  	v3 =	vor.u32 v3, v4  }
0x40: {  	v4 =	vperm.xlane v3, v0;
	_ =	sdelay $0x1  }
0x41: {  	v4 =	vadd.s32 v1, v4;
	_ =	sdelay $0x1  }
0x42: {  	v3 =	vperm.xlane v3, v2;
	_ =	sdelay $0x1  }
0x43: {  	v3 =	vadd.s32 v1, v3  }
0x44: {  	[tilespmem:s11], [sflag:$0x1] =	stream.indirect_vreg.gather [hbm4b:s3+s2], $0x80, v4, vm0, $0xb8;
	[tilespmem:$0x18200] =	vst v63  }
0x45: {  	_ = 	snop  }
0x46: {  	[tilespmem:s12], [sflag:$0x1] =	stream.indirect_vreg.gather [hbm4b:s4+s2], $0x80, v4, vm0, $0xb8;
	[tilespmem:$0x18200] =	vst v63  }
0x47: {  	_ = 	snop  }
0x48: {  	[tilespmem:s13], [sflag:$0x1] =	stream.indirect_vreg.gather [hbm4b:s3+s2], $0x80, v3, vm0, $0xb8;
	[tilespmem:$0x18200] =	vst v63  }
0x49: {  	_ = 	snop  }
0x4a: {  	[tilespmem:s14], [sflag:$0x1] =	stream.indirect_vreg.gather [hbm4b:s4+s2], $0x80, v3, vm0, $0xb8;
	[tilespmem:$0x18200] =	vst v63  }
0x4b: {  	v3 =	vld [tilespmem:$0x20];
	_ =	sdelay $0x4  }
0x4c: {  	v50 =	vshll.u32 v3, $0x2  }
0x4d: {  	v3 =	vand.u32 $0x7, v3;
	v4 =	vand.u32 $0xFFFFFFE0, v50  }
0x4e: {  	v3 =	vor.u32 v3, v4  }
0x4f: {  	v4 =	vperm.xlane v3, v0;
	_ =	sdelay $0x1  }
0x50: {  	v4 =	vadd.s32 v1, v4;
	_ =	sdelay $0x1  }
0x51: {  	v3 =	vperm.xlane v3, v2;
	_ =	sdelay $0x1  }
0x52: {  	v3 =	vadd.s32 v1, v3  }
0x53: {  	[tilespmem:s15], [sflag:$0x1] =	stream.indirect_vreg.gather [hbm4b:s3+s2], $0x80, v4, vm0, $0xb8;
	[tilespmem:$0x18200] =	vst v63  }
0x54: {  	_ = 	snop  }
0x55: {  	[tilespmem:s16], [sflag:$0x1] =	stream.indirect_vreg.gather [hbm4b:s4+s2], $0x80, v4, vm0, $0xb8;
	[tilespmem:$0x18200] =	vst v63  }
0x56: {  	_ = 	snop  }
0x57: {  	[tilespmem:s17], [sflag:$0x1] =	stream.indirect_vreg.gather [hbm4b:s3+s2], $0x80, v3, vm0, $0xb8;
	[tilespmem:$0x18200] =	vst v63  }
0x58: {  	_ = 	snop  }
0x59: {  	[tilespmem:s18], [sflag:$0x1] =	stream.indirect_vreg.gather [hbm4b:s4+s2], $0x80, v3, vm0, $0xb8;
	[tilespmem:$0x18200] =	vst v63  }
0x5a: {  	v3 =	vld [tilespmem:$0x30];
	_ =	sdelay $0x4  }
0x5b: {  	v51 =	vshll.u32 v3, $0x2  }
0x5c: {  	v3 =	vand.u32 $0x7, v3;
	v4 =	vand.u32 $0xFFFFFFE0, v51  }
0x5d: {  	v3 =	vor.u32 v3, v4  }
0x5e: {  	v4 =	vperm.xlane v3, v0;
	_ =	sdelay $0x1  }
0x5f: {  	v4 =	vadd.s32 v1, v4;
	_ =	sdelay $0x1  }
0x60: {  	v3 =	vperm.xlane v3, v2;
	_ =	sdelay $0x1  }
0x61: {  	v3 =	vadd.s32 v1, v3  }
0x62: {  	[tilespmem:s19], [sflag:$0x1] =	stream.indirect_vreg.gather [hbm4b:s3+s2], $0x80, v4, vm0, $0xb8;
	[tilespmem:$0x18200] =	vst v63  }
0x63: {  	_ = 	snop  }
0x64: {  	[tilespmem:s20], [sflag:$0x1] =	stream.indirect_vreg.gather [hbm4b:s4+s2], $0x80, v4, vm0, $0xb8;
	[tilespmem:$0x18200] =	vst v63  }
0x65: {  	_ = 	snop  }
0x66: {  	[tilespmem:s21], [sflag:$0x1] =	stream.indirect_vreg.gather [hbm4b:s3+s2], $0x80, v3, vm0, $0xb8;
	[tilespmem:$0x18200] =	vst v63  }
0x67: {  	_ = 	snop  }
0x68: {  	[tilespmem:s22], [sflag:$0x1] =	stream.indirect_vreg.gather [hbm4b:s4+s2], $0x80, v3, vm0, $0xb8;
	[tilespmem:$0x18200] =	vst v63  }
0x69: {  	v3 =	vld [tilespmem:$0x80];
	_ =	sdelay $0x4  }
0x6a: {  	v52 =	vshll.u32 v3, $0x2  }
0x6b: {  	v3 =	vand.u32 $0x7, v3;
	v4 =	vand.u32 $0xFFFFFFE0, v52  }
0x6c: {  	v3 =	vor.u32 v3, v4  }
0x6d: {  	v4 =	vperm.xlane v3, v0;
	_ =	sdelay $0x1  }
0x6e: {  	v4 =	vadd.s32 v1, v4;
	_ =	sdelay $0x1  }
0x6f: {  	v3 =	vperm.xlane v3, v2;
	_ =	sdelay $0x1  }
0x70: {  	v3 =	vadd.s32 v1, v3  }
0x71: {  	[tilespmem:s23], [sflag:$0x2] =	stream.indirect_vreg.gather [hbm4b:s3+s2], $0x80, v4, vm0, $0xb8;
	[tilespmem:$0x18200] =	vst v63  }
0x72: {  	s0 =	rddreg [dreg:$0x7]  }
0x73: {  	[tilespmem:s0], [sflag:$0x2] =	stream.indirect_vreg.gather [hbm4b:s4+s2], $0x80, v4, vm0, $0xb8;
	[tilespmem:$0x18200] =	vst v63  }
0x74: {  	s25 =	rddreg [dreg:$0x8]  }
0x75: {  	[tilespmem:s25], [sflag:$0x2] =	stream.indirect_vreg.gather [hbm4b:s3+s2], $0x80, v3, vm0, $0xb8;
	[tilespmem:$0x18200] =	vst v63  }
0x76: {  	s0 =	rddreg [dreg:$0x9]  }
0x77: {  	[tilespmem:s0], [sflag:$0x2] =	stream.indirect_vreg.gather [hbm4b:s4+s2], $0x80, v3, vm0, $0xb8;
	[tilespmem:$0x18200] =	vst v63  }
0x78: {  	v3 =	vld [tilespmem:$0x90];
	_ =	sdelay $0x4  }
0x79: {  	v53 =	vshll.u32 v3, $0x2  }
0x7a: {  	v3 =	vand.u32 $0x7, v3;
	v4 =	vand.u32 $0xFFFFFFE0, v53  }
0x7b: {  	v3 =	vor.u32 v3, v4  }
0x7c: {  	v4 =	vperm.xlane v3, v0;
	_ =	sdelay $0x1  }
0x7d: {  	v4 =	vadd.s32 v1, v4;
	_ =	sdelay $0x1  }
0x7e: {  	v3 =	vperm.xlane v3, v2;
	_ =	sdelay $0x1  }
0x7f: {  	s0 =	rddreg [dreg:$0xa];
	v3 =	vadd.s32 v1, v3  }
0x80: {  	[tilespmem:s0], [sflag:$0x2] =	stream.indirect_vreg.gather [hbm4b:s3+s2], $0x80, v4, vm0, $0xb8;
	[tilespmem:$0x18200] =	vst v63  }
0x81: {  	s25 =	rddreg [dreg:$0xb]  }
0x82: {  	[tilespmem:s25], [sflag:$0x2] =	stream.indirect_vreg.gather [hbm4b:s4+s2], $0x80, v4, vm0, $0xb8;
	[tilespmem:$0x18200] =	vst v63  }
0x83: {  	s0 =	rddreg [dreg:$0xc]  }
0x84: {  	[tilespmem:s0], [sflag:$0x2] =	stream.indirect_vreg.gather [hbm4b:s3+s2], $0x80, v3, vm0, $0xb8;
	[tilespmem:$0x18200] =	vst v63  }
0x85: {  	s25 =	rddreg [dreg:$0xd]  }
0x86: {  	[tilespmem:s25], [sflag:$0x2] =	stream.indirect_vreg.gather [hbm4b:s4+s2], $0x80, v3, vm0, $0xb8;
	[tilespmem:$0x18200] =	vst v63  }
0x87: {  	v3 =	vld [tilespmem:$0xA0];
	_ =	sdelay $0x4  }
0x88: {  	v54 =	vshll.u32 v3, $0x2  }
0x89: {  	v3 =	vand.u32 $0x7, v3;
	v4 =	vand.u32 $0xFFFFFFE0, v54  }
0x8a: {  	v3 =	vor.u32 v3, v4  }
0x8b: {  	v4 =	vperm.xlane v3, v0;
	_ =	sdelay $0x1  }
0x8c: {  	v4 =	vadd.s32 v1, v4;
	_ =	sdelay $0x1  }
0x8d: {  	v3 =	vperm.xlane v3, v2;
	_ =	sdelay $0x1  }
0x8e: {  	s0 =	rddreg [dreg:$0xe];
	v3 =	vadd.s32 v1, v3  }
0x8f: {  	[tilespmem:s0], [sflag:$0x2] =	stream.indirect_vreg.gather [hbm4b:s3+s2], $0x80, v4, vm0, $0xb8;
	[tilespmem:$0x18200] =	vst v63  }
0x90: {  	s25 =	rddreg [dreg:$0xf]  }
0x91: {  	[tilespmem:s25], [sflag:$0x2] =	stream.indirect_vreg.gather [hbm4b:s4+s2], $0x80, v4, vm0, $0xb8;
	[tilespmem:$0x18200] =	vst v63  }
0x92: {  	s0 =	rddreg [dreg:$0x10]  }
0x93: {  	[tilespmem:s0], [sflag:$0x2] =	stream.indirect_vreg.gather [hbm4b:s3+s2], $0x80, v3, vm0, $0xb8;
	[tilespmem:$0x18200] =	vst v63  }
0x94: {  	s25 =	rddreg [dreg:$0x11]  }
0x95: {  	[tilespmem:s25], [sflag:$0x2] =	stream.indirect_vreg.gather [hbm4b:s4+s2], $0x80, v3, vm0, $0xb8;
	[tilespmem:$0x18200] =	vst v63  }
0x96: {  	v3 =	vld [tilespmem:$0xB0];
	_ =	sdelay $0x4  }
0x97: {  	v55 =	vshll.u32 v3, $0x2  }
0x98: {  	v3 =	vand.u32 $0x7, v3;
	v4 =	vand.u32 $0xFFFFFFE0, v55  }
0x99: {  	v3 =	vor.u32 v3, v4  }
0x9a: {  	v4 =	vperm.xlane v3, v0;
	_ =	sdelay $0x1  }
0x9b: {  	v4 =	vadd.s32 v1, v4;
	_ =	sdelay $0x1  }
0x9c: {  	v3 =	vperm.xlane v3, v2;
	_ =	sdelay $0x1  }
0x9d: {  	s0 =	rddreg [dreg:$0x12];
	v3 =	vadd.s32 v1, v3  }
0x9e: {  	[tilespmem:s0], [sflag:$0x2] =	stream.indirect_vreg.gather [hbm4b:s3+s2], $0x80, v4, vm0, $0xb8;
	[tilespmem:$0x18200] =	vst v63  }
0x9f: {  	s25 =	rddreg [dreg:$0x13]  }
0xa0: {  	[tilespmem:s25], [sflag:$0x2] =	stream.indirect_vreg.gather [hbm4b:s4+s2], $0x80, v4, vm0, $0xb8;
	[tilespmem:$0x18200] =	vst v63  }
0xa1: {  	s0 =	rddreg [dreg:$0x14]  }
0xa2: {  	[tilespmem:s0], [sflag:$0x2] =	stream.indirect_vreg.gather [hbm4b:s3+s2], $0x80, v3, vm0, $0xb8;
	[tilespmem:$0x18200] =	vst v63  }
0xa3: {  	s25 =	rddreg [dreg:$0x15]  }
0xa4: {  	[tilespmem:s25], [sflag:$0x2] =	stream.indirect_vreg.gather [hbm4b:s4+s2], $0x80, v3, vm0, $0xb8;
	[tilespmem:$0x18200] =	vst v63  }
0xa5: {  	v3 =	vld [tilespmem:$0x100];
	_ =	sdelay $0x4  }
0xa6: {  	v56 =	vshll.u32 v3, $0x2  }
0xa7: {  	v3 =	vand.u32 $0x7, v3;
	v4 =	vand.u32 $0xFFFFFFE0, v56  }
0xa8: {  	v3 =	vor.u32 v3, v4  }
0xa9: {  	v4 =	vperm.xlane v3, v0;
	_ =	sdelay $0x1  }
0xaa: {  	v4 =	vadd.s32 v1, v4;
	_ =	sdelay $0x1  }
0xab: {  	v3 =	vperm.xlane v3, v2;
	_ =	sdelay $0x1  }
0xac: {  	v3 =	vadd.s32 v1, v3  }
0xad: {  	[tilespmem:s24], [sflag:$0x3] =	stream.indirect_vreg.gather [hbm4b:s3+s2], $0x80, v4, vm0, $0xb8;
	[tilespmem:$0x18200] =	vst v63  }
0xae: {  	s0 =	rddreg [dreg:$0x16]  }
0xaf: {  	[tilespmem:s0], [sflag:$0x3] =	stream.indirect_vreg.gather [hbm4b:s4+s2], $0x80, v4, vm0, $0xb8;
	[tilespmem:$0x18200] =	vst v63  }
0xb0: {  	s25 =	rddreg [dreg:$0x17]  }
0xb1: {  	[tilespmem:s25], [sflag:$0x3] =	stream.indirect_vreg.gather [hbm4b:s3+s2], $0x80, v3, vm0, $0xb8;
	[tilespmem:$0x18200] =	vst v63  }
0xb2: {  	s0 =	rddreg [dreg:$0x18]  }
0xb3: {  	[tilespmem:s0], [sflag:$0x3] =	stream.indirect_vreg.gather [hbm4b:s4+s2], $0x80, v3, vm0, $0xb8;
	[tilespmem:$0x18200] =	vst v63  }
0xb4: {  	v3 =	vld [tilespmem:$0x110];
	_ =	sdelay $0x4  }
0xb5: {  	v57 =	vshll.u32 v3, $0x2  }
0xb6: {  	v3 =	vand.u32 $0x7, v3;
	v4 =	vand.u32 $0xFFFFFFE0, v57  }
0xb7: {  	v3 =	vor.u32 v3, v4  }
0xb8: {  	v4 =	vperm.xlane v3, v0;
	_ =	sdelay $0x1  }
0xb9: {  	v4 =	vadd.s32 v1, v4;
	_ =	sdelay $0x1  }
0xba: {  	v3 =	vperm.xlane v3, v2;
	_ =	sdelay $0x1  }
0xbb: {  	s0 =	rddreg [dreg:$0x19];
	v3 =	vadd.s32 v1, v3  }
0xbc: {  	[tilespmem:s0], [sflag:$0x3] =	stream.indirect_vreg.gather [hbm4b:s3+s2], $0x80, v4, vm0, $0xb8;
	[tilespmem:$0x18200] =	vst v63  }
0xbd: {  	s25 =	rddreg [dreg:$0x1a]  }
0xbe: {  	[tilespmem:s25], [sflag:$0x3] =	stream.indirect_vreg.gather [hbm4b:s4+s2], $0x80, v4, vm0, $0xb8;
	[tilespmem:$0x18200] =	vst v63  }
0xbf: {  	s0 =	rddreg [dreg:$0x1b]  }
0xc0: {  	[tilespmem:s0], [sflag:$0x3] =	stream.indirect_vreg.gather [hbm4b:s3+s2], $0x80, v3, vm0, $0xb8;
	[tilespmem:$0x18200] =	vst v63  }
0xc1: {  	s25 =	rddreg [dreg:$0x1c]  }
0xc2: {  	[tilespmem:s25], [sflag:$0x3] =	stream.indirect_vreg.gather [hbm4b:s4+s2], $0x80, v3, vm0, $0xb8;
	[tilespmem:$0x18200] =	vst v63  }
0xc3: {  	v3 =	vld [tilespmem:$0x120];
	_ =	sdelay $0x4  }
0xc4: {  	v58 =	vshll.u32 v3, $0x2  }
0xc5: {  	v3 =	vand.u32 $0x7, v3;
	v4 =	vand.u32 $0xFFFFFFE0, v58  }
0xc6: {  	v3 =	vor.u32 v3, v4  }
0xc7: {  	v4 =	vperm.xlane v3, v0;
	_ =	sdelay $0x1  }
0xc8: {  	v4 =	vadd.s32 v1, v4;
	_ =	sdelay $0x1  }
0xc9: {  	v3 =	vperm.xlane v3, v2  }
0xca: {  	s0 =	rddreg [dreg:$0x1d]  }
0xcb: {  	s25 =	rddreg [dreg:$0x1e];
	v3 =	vadd.s32 v1, v3  }
0xcc: {  	[tilespmem:s0], [sflag:$0x3] =	stream.indirect_vreg.gather [hbm4b:s3+s2], $0x80, v4, vm0, $0xb8;
	[tilespmem:$0x18200] =	vst v63  }
0xcd: {  	s0 =	rddreg [dreg:$0x1f]  }
0xce: {  	[tilespmem:s25], [sflag:$0x3] =	stream.indirect_vreg.gather [hbm4b:s4+s2], $0x80, v4, vm0, $0xb8;
	[tilespmem:$0x18200] =	vst v63  }
0xcf: {  	s25 =	sld [smem:$0x7FA]  }
0xd0: {  	[tilespmem:s0], [sflag:$0x3] =	stream.indirect_vreg.gather [hbm4b:s3+s2], $0x80, v3, vm0, $0xb8;
	[tilespmem:$0x18200] =	vst v63  }
0xd1: {  	_ = 	snop  }
0xd2: {  	[tilespmem:s25], [sflag:$0x3] =	stream.indirect_vreg.gather [hbm4b:s4+s2], $0x80, v3, vm0, $0xb8;
	[tilespmem:$0x18200] =	vst v63  }
0xd3: {  	v3 =	vld [tilespmem:$0x130];
	_ =	sdelay $0x4  }
0xd4: {  	v59 =	vshll.u32 v3, $0x2  }
0xd5: {  	v3 =	vand.u32 $0x7, v3;
	v4 =	vand.u32 $0xFFFFFFE0, v59  }
0xd6: {  	v3 =	vor.u32 v3, v4  }
0xd7: {  	v4 =	vperm.xlane v3, v0;
	_ =	sdelay $0x1  }
0xd8: {  	v4 =	vadd.s32 v1, v4;
	_ =	sdelay $0x1  }
0xd9: {  	s0 =	sld [smem:$0x7FB];
	v3 =	vperm.xlane v3, v2;
	_ =	sdelay $0x1  }
0xda: {  	s25 =	sld [smem:$0x7FC];
	v3 =	vadd.s32 v1, v3  }
0xdb: {  	[tilespmem:s0], [sflag:$0x3] =	stream.indirect_vreg.gather [hbm4b:s3+s2], $0x80, v4, vm0, $0xb8;
	[tilespmem:$0x18200] =	vst v63  }
0xdc: {  	s0 =	sld [smem:$0x7FD]  }
0xdd: {  	[tilespmem:s25], [sflag:$0x3] =	stream.indirect_vreg.gather [hbm4b:s4+s2], $0x80, v4, vm0, $0xb8;
	[tilespmem:$0x18200] =	vst v63  }
0xde: {  	_ = 	snop  }
0xdf: {  	[tilespmem:s0], [sflag:$0x3] =	stream.indirect_vreg.gather [hbm4b:s3+s2], $0x80, v3, vm0, $0xb8;
	[tilespmem:$0x18200] =	vst v63  }
0xe0: {  	s25 =	simm.s32 $0x17A00  }
0xe1: {  	[tilespmem:s25], [sflag:$0x3] =	stream.indirect_vreg.gather [hbm4b:s4+s2], $0x80, v3, vm0, $0xb8;
	[tilespmem:$0x18200] =	vst v63  }
0xe2: {  	_ =	swait.ge [sflag:s26], $0x8000  }
0xe3: {  	[sflag:s26] =	ssyncset.done $0x0  }
0xe4: {  	s25 =	rddreg [dreg:$0x3];
	[sflag:s26] =	ssyncadd.s32 $0xFFFF8000  }
0xe5: {  	[hbm4b:s25+s2] =	stream.linear.scatter [tilespmem:s7], [sflag:$0x4], $0x8000, $0x38;
	[tilespmem:$0x18200] =	vst v63  }
0xe6: {  	_ =	swait.ge [sflag:s28], $0x8000  }
0xe7: {  	[sflag:s28] =	ssyncset.done $0x0  }
0xe8: {  	[sflag:s28] =	ssyncadd.s32 $0xFFFF8000  }
0xe9: {  	v3 =	vld [tilespmem:$0x180];
	_ =	sdelay $0x4  }
0xea: {  	v60 =	vshll.u32 v3, $0x2  }
0xeb: {  	v3 =	vand.u32 $0x7, v3;
	v4 =	vand.u32 $0xFFFFFFE0, v60  }
0xec: {  	v3 =	vor.u32 v3, v4  }
0xed: {  	v4 =	vperm.xlane v3, v0;
	_ =	sdelay $0x1  }
0xee: {  	v4 =	vadd.s32 v1, v4;
	_ =	sdelay $0x1  }
0xef: {  	v3 =	vperm.xlane v3, v2;
	_ =	sdelay $0x1  }
0xf0: {  	v3 =	vadd.s32 v1, v3  }
0xf1: {  	[tilespmem:s7], [sflag:$0x1] =	stream.indirect_vreg.gather [hbm4b:s3+s2], $0x80, v4, vm0, $0xb8;
	[tilespmem:$0x18200] =	vst v63  }
0xf2: {  	_ = 	snop  }
0xf3: {  	[tilespmem:s8], [sflag:$0x1] =	stream.indirect_vreg.gather [hbm4b:s4+s2], $0x80, v4, vm0, $0xb8;
	[tilespmem:$0x18200] =	vst v63  }
0xf4: {  	_ = 	snop  }
0xf5: {  	[tilespmem:s9], [sflag:$0x1] =	stream.indirect_vreg.gather [hbm4b:s3+s2], $0x80, v3, vm0, $0xb8;
	[tilespmem:$0x18200] =	vst v63  }
0xf6: {  	_ = 	snop  }
0xf7: {  	[tilespmem:s10], [sflag:$0x1] =	stream.indirect_vreg.gather [hbm4b:s4+s2], $0x80, v3, vm0, $0xb8;
	[tilespmem:$0x18200] =	vst v63  }
0xf8: {  	v3 =	vld [tilespmem:$0x190];
	_ =	sdelay $0x4  }
0xf9: {  	v61 =	vshll.u32 v3, $0x2  }
0xfa: {  	v3 =	vand.u32 $0x7, v3;
	v4 =	vand.u32 $0xFFFFFFE0, v61  }
0xfb: {  	v3 =	vor.u32 v3, v4  }
0xfc: {  	v4 =	vperm.xlane v3, v0;
	_ =	sdelay $0x1  }
0xfd: {  	v4 =	vadd.s32 v1, v4;
	_ =	sdelay $0x1  }
0xfe: {  	v3 =	vperm.xlane v3, v2;
	_ =	sdelay $0x1  }
0xff: {  	v3 =	vadd.s32 v1, v3  }
0x100: {  	[tilespmem:s11], [sflag:$0x1] =	stream.indirect_vreg.gather [hbm4b:s3+s2], $0x80, v4, vm0, $0xb8;
	[tilespmem:$0x18200] =	vst v63  }
0x101: {  	_ = 	snop  }
0x102: {  	[tilespmem:s12], [sflag:$0x1] =	stream.indirect_vreg.gather [hbm4b:s4+s2], $0x80, v4, vm0, $0xb8;
	[tilespmem:$0x18200] =	vst v63  }
0x103: {  	_ = 	snop  }
0x104: {  	[tilespmem:s13], [sflag:$0x1] =	stream.indirect_vreg.gather [hbm4b:s3+s2], $0x80, v3, vm0, $0xb8;
	[tilespmem:$0x18200] =	vst v63  }
0x105: {  	_ = 	snop  }
0x106: {  	[tilespmem:s14], [sflag:$0x1] =	stream.indirect_vreg.gather [hbm4b:s4+s2], $0x80, v3, vm0, $0xb8;
	[tilespmem:$0x18200] =	vst v63  }
0x107: {  	v3 =	vld [tilespmem:$0x1A0];
	_ =	sdelay $0x4  }
0x108: {  	v62 =	vshll.u32 v3, $0x2  }
0x109: {  	v3 =	vand.u32 $0x7, v3;
	v4 =	vand.u32 $0xFFFFFFE0, v62  }
0x10a: {  	v3 =	vor.u32 v3, v4  }
0x10b: {  	v4 =	vperm.xlane v3, v0;
	_ =	sdelay $0x1  }
0x10c: {  	v4 =	vadd.s32 v1, v4;
	_ =	sdelay $0x1  }
0x10d: {  	v3 =	vperm.xlane v3, v2;
	_ =	sdelay $0x1  }
0x10e: {  	v3 =	vadd.s32 v1, v3  }
0x10f: {  	[tilespmem:s15], [sflag:$0x1] =	stream.indirect_vreg.gather [hbm4b:s3+s2], $0x80, v4, vm0, $0xb8;
	[tilespmem:$0x18200] =	vst v63  }
0x110: {  	_ = 	snop  }
0x111: {  	[tilespmem:s16], [sflag:$0x1] =	stream.indirect_vreg.gather [hbm4b:s4+s2], $0x80, v4, vm0, $0xb8;
	[tilespmem:$0x18200] =	vst v63  }
0x112: {  	_ = 	snop  }
0x113: {  	[tilespmem:s17], [sflag:$0x1] =	stream.indirect_vreg.gather [hbm4b:s3+s2], $0x80, v3, vm0, $0xb8;
	[tilespmem:$0x18200] =	vst v63  }
0x114: {  	_ = 	snop  }
0x115: {  	[tilespmem:s18], [sflag:$0x1] =	stream.indirect_vreg.gather [hbm4b:s4+s2], $0x80, v3, vm0, $0xb8;
	[tilespmem:$0x18200] =	vst v63  }
0x116: {  	v3 =	vld [tilespmem:$0x1B0];
	_ =	sdelay $0x4  }
0x117: {  	v63 =	vshll.u32 v3, $0x2  }
0x118: {  	v3 =	vand.u32 $0x7, v3;
	v4 =	vand.u32 $0xFFFFFFE0, v63  }
0x119: {  	v3 =	vor.u32 v3, v4  }
0x11a: {  	v4 =	vperm.xlane v3, v0;
	_ =	sdelay $0x1  }
0x11b: {  	v4 =	vadd.s32 v1, v4;
	_ =	sdelay $0x1  }
0x11c: {  	v3 =	vperm.xlane v3, v2;
	_ =	sdelay $0x1  }
0x11d: {  	v3 =	vadd.s32 v1, v3  }
0x11e: {  	[tilespmem:s19], [sflag:$0x1] =	stream.indirect_vreg.gather [hbm4b:s3+s2], $0x80, v4, vm0, $0xb8;
	[tilespmem:$0x18200] =	vst v63  }
0x11f: {  	_ = 	snop  }
0x120: {  	[tilespmem:s20], [sflag:$0x1] =	stream.indirect_vreg.gather [hbm4b:s4+s2], $0x80, v4, vm0, $0xb8;
	[tilespmem:$0x18200] =	vst v63  }
0x121: {  	_ = 	snop  }
0x122: {  	[tilespmem:s21], [sflag:$0x1] =	stream.indirect_vreg.gather [hbm4b:s3+s2], $0x80, v3, vm0, $0xb8;
	[tilespmem:$0x18200] =	vst v63  }
0x123: {  	_ = 	snop  }
0x124: {  	[tilespmem:s22], [sflag:$0x1] =	stream.indirect_vreg.gather [hbm4b:s4+s2], $0x80, v3, vm0, $0xb8;
	[tilespmem:$0x18200] =	vst v63  }
0x125: {  	_ =	swait.ge [sflag:s29], $0x8000  }
0x126: {  	[sflag:s29] =	ssyncset.done $0x0  }
0x127: {  	s25 =	rddreg [dreg:$0x4];
	[sflag:s29] =	ssyncadd.s32 $0xFFFF8000  }
0x128: {  	[hbm4b:s25+s2] =	stream.linear.scatter [tilespmem:s23], [sflag:$0x5], $0x8000, $0x38;
	[tilespmem:$0x18200] =	vst v63  }
0x129: {  	_ =	swait.ge [sflag:s30], $0x8000  }
0x12a: {  	[sflag:s30] =	ssyncset.done $0x0  }
0x12b: {  	s25 =	rddreg [dreg:$0x5];
	[sflag:s30] =	ssyncadd.s32 $0xFFFF8000  }
0x12c: {  	[hbm4b:s25+s2] =	stream.linear.scatter [tilespmem:s24], [sflag:$0x6], $0x8000, $0x38;
	[tilespmem:$0x18200] =	vst v63  }
0x12d: {  	_ =	swait.ge [sflag:s26], $0x8000  }
0x12e: {  	[sflag:s26] =	ssyncset.done $0x0  }
0x12f: {  	s25 =	rddreg [dreg:$0x6];
	[sflag:s26] =	ssyncadd.s32 $0xFFFF8000  }
0x130: {  	[hbm4b:s25+s2] =	stream.linear.scatter [tilespmem:s7], [sflag:$0x4], $0x8000, $0x38;
	[tilespmem:$0x18200] =	vst v63  }
0x131: {  	_ =	swait.ge [sflag:s28], $0x8000  }
0x132: {  	[sflag:s28] =	ssyncset.done $0x0  }
0x133: {  	[sflag:s28] =	ssyncadd.s32 $0xFFFF8000  }
0x134: {  	p0 =	sne.s32 s5, $0x1;
	_ =	swait.ge [sflag:s31], $0x8000  }
.Ltmp0:
0x135: {  	[sflag:s31] =	ssyncset.done $0x0;
	(pc) =	sbr.rel @p0 .LBB2_1-.Ltmp0, $4  }
0x136: {  	[sflag:s31] =	ssyncadd.s32 $0xFFFF8000  }
0x137: {  	_ =	swait.ge [sflag:s1], $0x8000  }
0x138: {  	[sflag:s1] =	ssyncset.done $0x0  }
0x139: {  	s5 =	sadd.s32 $0xFFFFFFFF, s5;
	[sflag:s1] =	ssyncadd.s32 $0xFFFF8000  }
0x13a: {  	_ =	sfence.sel $0x180000  }
0x13b: {  	[bflag:$0x0] =	sbarrier.arrive $0xFFFF  }
0x13c: {  	_ =	strace $0x9000004A  }
0x13d: {  	s0 =	stileid.u32;
	[bflag:$0x2] =	sbarrier.arrive $0xFFFF  }
0x13e: {  	p0 =	sne.s32 s0, $0x0;
	s0 =	rddreg [dreg:$0x1]  }
0x13f: {  	s0 =	sadd.s32 @!p0 $0x100000, s0  }
0x140: {  	[sflag:s0] =	ssyncadd.tile.s32 @!p0 $0x1;
	_ =	shalt  }
.Lfunc_end2:
_tile_overlayer_lowered:
.L_overlay_start_2:
0x141: {  	(tag) =	ssettag $0x2  }
0x142: {  	s0 =	rddreg [dreg:$0x0];
	s2 =	stileid.u32  }
0x143: {  	s1 =	rddreg [dreg:$0x1];
	p0 =	sne.s32 s2, $0x0  }
0x144: {  	s3 =	rddreg [dreg:$0x2];
	[bflag:$0x3] =	sbarrier.arrive $0xFFFF;
	s2 =	simm.s32 @!p0 $0x1C07  }
0x145: {  	[timem:s3], [sflag:s2] =	dma.local @!p0 [hbm:s0], s1  }
0x146: {  	s0 =	simm.s32 @!p0 $0x7  }
0x147: {  	_ =	swait.ge @!p0 [sflag:s0], s1  }
0x148: {  	s1 =	ssub.s32 @!p0 $0x0, s1;
	[sflag:s0] =	ssyncset.done @!p0 $0x0  }
0x149: {  	[sflag:s0] =	ssyncadd.s32 @!p0 s1  }
0x14a: {  	[bflag:$0x3] =	sbarrier.arrive $0xFFFF  }
0x14b: {  	_ =	shalt  }

// kernel: kernel.7.cloned.1.call-start
scs
__scs_entry_jumppad:
0x0: {  	(pc) =	sbr.rel $0x88, $3  }
0x1: {  	(tag) =	ssettag $0x0;
	lr =	simm.s32 $0x1  }
0x2: {  	[smem:$0x3F97] =	sst lr;
	_ =	strace $0xD0000000  }
0x3: {  	_ = 	snop  }
0x4: {  	_ = 	snop  }
0x5: {  	_ = 	snop  }
0x6: {  	_ = 	snop  }
0x7: {  	_ = 	snop  }
__scs_overlays_trampoline_lowered:
0x8: {  	[smem:$0x3FA6] =	sst s0  }
0x9: {  	[smem:$0x3FA7] =	sst s1  }
0xa: {  	[smem:$0x3FA8] =	sst s2  }
0xb: {  	[smem:$0x3FA9] =	sst s3  }
0xc: {  	[smem:$0x3FAA] =	sst s4  }
0xd: {  	[smem:$0x3FAB] =	sst s5  }
0xe: {  	[smem:$0x3FAC] =	sst s6  }
0xf: {  	[smem:$0x3FAD] =	sst s7  }
0x10: {  	[smem:$0x3FAE] =	sst s8  }
0x11: {  	[smem:$0x3FAF] =	sst s9;
	s0 =	simm.s32 @!p0 $0x0  }
0x12: {  	s1 =	sld [smem:$0x3F95];
	s0 =	simm.s32 @p0 $0x1  }
0x13: {  	[smem:$0x3FB0] =	sst s0;
	s0 =	simm.s32 @!p1 $0x0  }
0x14: {  	s2 =	sld [smem:$0x3F94];
	s0 =	simm.s32 @p1 $0x1  }
0x15: {  	[smem:$0x3FB1] =	sst s0;
	s0 =	simm.s32 @!p2 $0x0  }
0x16: {  	s3 =	sld [smem:$0x3FDB];
	s0 =	simm.s32 @p2 $0x1  }
0x17: {  	s4 =	simm.s32 $0x1BF5;
	[smem:$0x3FB3] =	sst s0  }
0x18: {  	s0 =	sld [smem:$0x3F96];
	_ =	swait.ge [sflag:s4], $0x0  }
0x19: {  	s7 =	sld [smem:$0x3F97]  }
0x1a: {  	s8 =	sadd.s32 $0xFFFFE003, lr  }
0x1b: {  	s9 =	sadd.s32 $0xFFFFFEF7, lr;
	s5 =	simm.s32 $0xFFFFFFFF;
	p2 =	slt.u32 s8, $0xFFFFF086  }
0x1c: {  	p1 =	slt.u32 s9, $0xF7A;
	s5 =	simm.s32 @!p2 $0x0  }
0x1d: {  	s5 =	simm.s32 @p1 $0x1;
	p0 =	seq.s32 s7, s2  }
0x1e: {  	s7 =	smul.u32 @!p0 $0xF7A, s2;
	p2 =	seq.s32 @!p0 s5, $0x0  }
0x1f: {  	s9 =	smul.u32 $0xF7A, s1;
	s8 =	simm.s32 @!p0 $0x1BF5;
	p2 =	por !p2, p0  }
0x20: {  	[sflag:s8] =	ssyncset.s32 @!p0 $0xFFFFF086;
	s6 =	sadd.s32 @!p0 s3, s7;
	s7 =	simm.s32 @!p0 $0x108  }
0x21: {  	s3 =	sadd.s32 s3, s9;
	s6 =	sadd.s32 @!p0 $0x88, s6;
	s7 =	simm.s32 @p2 $0x1082  }
0x22: {  	[simem:s7], [sflag:s8] =	dma.local @!p0 [hbm:s6], $0xF7A  }
0x23: {  	s9 =	sor.u32 $0xD0000000, s2;
	s6 =	simm.s32 $0x108;
	_ =	swait.ge @!p0 [sflag:s8], $0x0  }
0x24: {  	s3 =	sadd.s32 $0x88, s3;
	s6 =	simm.s32 @!p1 $0x1082;
	[sflag:s4] =	ssyncset.s32 $0xFFFFF086  }
0x25: {  	[simem:s6], [sflag:s4] =	dma.local [hbm:s3], $0xF7A  }
0x26: {  	[smem:$0x3F97] =	sst s1;
	(tag) =	ssettag s2;
	_ =	strace s9  }
0x27: {  	s1 =	sld [smem:$0x3FA7]  }
0x28: {  	s2 =	sld [smem:$0x3FA8]  }
0x29: {  	s4 =	sld [smem:$0x3FAA]  }
0x2a: {  	p0 =	seq.s32 s5, $0x0;
	s5 =	sld [smem:$0x3FAB]  }
0x2b: {  	s6 =	sld [smem:$0x3FAC]  }
0x2c: {  	s7 =	sld [smem:$0x3FAD]  }
0x2d: {  	s3 =	simm.s32 $0x108;
	s8 =	sld [smem:$0x3FAE]  }
0x2e: {  	s3 =	simm.s32 @!p0 $0x1082;
	s9 =	sld [smem:$0x3FAF]  }
0x2f: {  	lr =	sadd.s32 s0, s3;
	s0 =	sld [smem:$0x3FA6]  }
0x30: {  	s3 =	sld [smem:$0x3FA9]  }
0x31: {  	[smem:$0x3FB2] =	sst s10  }
0x32: {  	s10 =	sld [smem:$0x3FB0];
	_ =	sdelay $0x3  }
0x33: {  	p0 =	seq.s32 s10, $0x1;
	s10 =	sld [smem:$0x3FB2];
	_ =	sdelay $0x3  }
0x34: {  	[smem:$0x3FB2] =	sst s10  }
0x35: {  	s10 =	sld [smem:$0x3FB1];
	_ =	sdelay $0x3  }
0x36: {  	p1 =	seq.s32 s10, $0x1;
	s10 =	sld [smem:$0x3FB2];
	_ =	sdelay $0x3  }
0x37: {  	[smem:$0x3FB2] =	sst s10  }
0x38: {  	s10 =	sld [smem:$0x3FB3]  }
0x39: {  	_ = 	snop;
	(pc) =	sbr.ind lr, $3  }
0x3a: {  	_ = 	snop  }
0x3b: {  	_ = 	snop  }
0x3c: {  	p2 =	seq.s32 s10, $0x1;
	s10 =	sld [smem:$0x3FB2]  }
0x3d: {  	_ =	shalt  }
0x3e: {  	_ =	shalt  }
0x3f: {  	_ =	shalt  }
0x40: {  	_ =	shalt  }
0x41: {  	_ =	shalt  }
0x42: {  	_ =	shalt  }
0x43: {  	_ =	shalt  }
0x44: {  	_ =	shalt  }
0x45: {  	_ =	shalt  }
0x46: {  	_ =	shalt  }
0x47: {  	_ =	shalt  }
0x48: {  	_ =	shalt  }
0x49: {  	_ =	shalt  }
0x4a: {  	_ =	shalt  }
0x4b: {  	_ =	shalt  }
0x4c: {  	_ =	shalt  }
0x4d: {  	_ =	shalt  }
0x4e: {  	_ =	shalt  }
0x4f: {  	_ =	shalt  }
0x50: {  	_ =	shalt  }
0x51: {  	_ =	shalt  }
0x52: {  	_ =	shalt  }
0x53: {  	_ =	shalt  }
0x54: {  	_ =	shalt  }
0x55: {  	_ =	shalt  }
0x56: {  	_ =	shalt  }
0x57: {  	_ =	shalt  }
0x58: {  	_ =	shalt  }
0x59: {  	_ =	shalt  }
0x5a: {  	_ =	shalt  }
0x5b: {  	_ =	shalt  }
0x5c: {  	_ =	shalt  }
0x5d: {  	_ =	shalt  }
0x5e: {  	_ =	shalt  }
0x5f: {  	_ =	shalt  }
0x60: {  	_ =	shalt  }
0x61: {  	_ =	shalt  }
0x62: {  	_ =	shalt  }
0x63: {  	_ =	shalt  }
0x64: {  	_ =	shalt  }
0x65: {  	_ =	shalt  }
0x66: {  	_ =	shalt  }
0x67: {  	_ =	shalt  }
0x68: {  	_ =	shalt  }
0x69: {  	_ =	shalt  }
0x6a: {  	_ =	shalt  }
0x6b: {  	_ =	shalt  }
0x6c: {  	_ =	shalt  }
0x6d: {  	_ =	shalt  }
0x6e: {  	_ =	shalt  }
0x6f: {  	_ =	shalt  }
0x70: {  	_ =	shalt  }
0x71: {  	_ =	shalt  }
0x72: {  	_ =	shalt  }
0x73: {  	_ =	shalt  }
0x74: {  	_ =	shalt  }
0x75: {  	_ =	shalt  }
0x76: {  	_ =	shalt  }
0x77: {  	_ =	shalt  }
0x78: {  	_ =	shalt  }
0x79: {  	_ =	shalt  }
0x7a: {  	_ =	shalt  }
0x7b: {  	_ =	shalt  }
0x7c: {  	_ =	shalt  }
0x7d: {  	_ =	shalt  }
0x7e: {  	_ =	shalt  }
0x7f: {  	_ =	shalt  }
0x80: {  	_ =	shalt  }
0x81: {  	_ =	shalt  }
0x82: {  	_ =	shalt  }
0x83: {  	_ =	shalt  }
0x84: {  	_ =	shalt  }
0x85: {  	_ =	shalt  }
0x86: {  	_ =	shalt  }
0x87: {  	_ =	shalt  }
.Lfunc_end0:
.L_simem_size_0:
called_computation_lowered:
.L_overlay_start_0:
0x88: {  	s2 =	sld [smem:$0x3FD9]  }
0x89: {  	s3 =	sld [smem:$0x3FFE];
	_ =	sdelay $0x1  }
0x8a: {  	s1 =	srdreg.scid  }
0x8b: {  	s0 =	sand.u32 $0x1, s1  }
0x8c: {  	s17 =	sshll.u32 s0, $0xA;
	s2 =	sadd.s32 s3, s2  }
0x8d: {  	s2 =	sadd.s32 s2, s17  }
0x8e: {  	[smem:$0x3FBE] =	sst s2  }
0x8f: {  	_ = 	snop  }
0x90: {  	s2 =	sld [smem:$0x3FD0];
	(tm) =	ssettm $0x1  }
0x91: {  	s18 =	sld [smem:$0x3FFB];
	_ =	sdelay $0x3  }
0x92: {  	_ =	strace s18  }
0x93: {  	s3 =	sld [smem:$0x3FFC];
	_ =	sdelay $0x3  }
0x94: {  	_ =	strace s3  }
0x95: {  	s3 =	sld [smem:$0x3FFD];
	_ =	sdelay $0x3  }
0x96: {  	_ =	strace s3  }
0x97: {  	_ =	strace $0x8FFFFFFF  }
0x98: {  	s19 =	sld [smem:$0x3FDB];
	_ =	sdelay $0x1  }
0x99: {  	s4 =	simm.s32 $_scs_section_size  }
0x9a: {  	s5 =	simm.s32 $_size__tile_overlayer_lowered;
	s6 =	simm.s32 $_tile_overlayer_lowered  }
0x9b: {  	s22 =	simm.s32 $0x1BFF;
	s21 =	sshll.u32 s6, $0x1;
	s3 =	sadd.s32 s4, s19  }
0x9c: {  	s7 =	simm.s32 $0x0;
	s20 =	sshll.u32 s5, $0x1;
	s5 =	sadd.s32 s21, s3  }
0x9d: {  	[timem:s7], [sflag:s22] =	dma.local [hbm:s5], s20  }
0x9e: {  	_ =	swait.ge [sflag:s22], s20  }
0x9f: {  	s4 =	ssub.s32 $0x0, s20;
	[sflag:s22] =	ssyncset.done $0x0  }
0xa0: {  	[sflag:s22] =	ssyncadd.s32 s4;
	_ =	sdelay $0x1  }
0xa1: {  	s23 =	simm.s32 $0x1B8B  }
0xa2: {  	_ =	swait.ge [sflag:s23], $0x1  }
0xa3: {  	[sflag:s23] =	ssyncset.done $0x0  }
0xa4: {  	s25 =	simm.s32 $0x1B8E;
	s24 =	sld [smem:$0x3FFE];
	[sflag:s23] =	ssyncadd.s32 $0xFFFFFFFF  }
0xa5: {  	s26 =	simm.s32 $execute0_lowered;
	[smem:$0x3FD2] =	sst s25  }
0xa6: {  	s5 =	sshll.u32 s26, $0x1;
	_ =	strace $0x80000046;
	[dreg:$0x1] =	wrdreg $0xFFFFFFFF  }
0xa7: {  	s28 =	simm.s32 $_size_execute0_lowered;
	s3 =	sadd.s32 s3, s5;
	[dreg:$0x0] =	wrdreg $0x0  }
0xa8: {  	s5 =	sshll.u32 s28, $0x1;
	[dreg:$0x2] =	wrdreg s3  }
0xa9: {  	[dreg:$0x3] =	wrdreg s5  }
0xaa: {  	[dreg:$0x4] =	wrdreg $0xC0  }
0xab: {  	_ =	task [dreg:s7], $0x5FFFF  }
0xac: {  	[dreg:$0x1] =	wrdreg $0xFFFFFFFF  }
0xad: {  	[dreg:$0x0] =	wrdreg $0x60  }
0xae: {  	[dreg:$0x2] =	wrdreg s2  }
0xaf: {  	[dreg:$0x3] =	wrdreg s24  }
0xb0: {  	[dreg:$0x4] =	wrdreg $0x9  }
0xb1: {  	_ =	task.clear_ibuf [dreg:s7], $0x5FFFF;
	_ =	strace $0x90000046  }
0xb2: {  	s29 =	simm.s32 $0x9;
	_ =	strace $0x80000048  }
0xb3: {  	_ =	swait.ge [sflag:s29], $0x1  }
0xb4: {  	[sflag:s29] =	ssyncadd.s32 $0xFFFFFFFF  }
0xb5: {  	_ =	strace $0x90000048  }
0xb6: {  	_ =	sfence  }
0xb7: {  	s30 =	sld [smem:$0x0];
	_ =	sdelay $0x2  }
0xb8: {  	s31 =	sshll.u32 s1, $0xD;
	s1 =	sshrl.u32 s1, $0x2  }
0xb9: {  	s3 =	sand.u32 $0x4000, s31;
	s1 =	sadd.s32 s1, s30  }
0xba: {  	s0 =	sor.u32 s3, s0;
	s1 =	sshll.u32 s1, $0x11  }
0xbb: {  	s0 =	sor.u32 s1, s0  }
0xbc: {  	s0 =	sadd.s32 $0x8F2B, s0  }
0xbd: {  	[sflag:s0] =	ssyncadd.remote.s32 $0x1  }
0xbe: {  	_ =	sfence.sel $0xFFFF  }
0xbf: {  	[dreg:$0x0] =	wrdreg $0xFFFFFFFF;
	(pc) =	sbr.abs _section_cstart, $3  }
0xc0: {  	[dreg:$0x1] =	wrdreg $0xFFFFFFFF  }
0xc1: {  	_ =	task.clear_ibuf [dreg:s7], $0x2FFFF;
	_ =	strace $0x9FFFFFFF  }
0xc2: {  	(tm) =	ssettm $0x7FFFFFFF  }
0xc3: {  	_ =	shalt  }
tec
execute0_lowered:
.L_overlay_start_1:
0x0: {  	(tag) =	ssettag $0x1  }
0x1: {  	s1 =	srdreg.scid;
	s0 =	stileid.u32  }
0x2: {  	s2 =	rddreg [dreg:$0x0];
	s1 =	sand.u32 $0x1, s1;
	s3 =	sshll.u32 s0, $0x1  }
0x3: {  	s4 =	rddreg [dreg:$0x1];
	s5 =	sor.u32 s1, s3;
	s3 =	simm.s32 $0x0  }
0x4: {  	s19 =	simm.s32 $0x8A00;
	[smem:$0x7FF] =	sst s3  }
0x5: {  	s20 =	simm.s32 $0x9200;
	_ =	strace $0x80000047;
	[dreg:$0x8] =	wrdreg s19  }
0x6: {  	s21 =	simm.s32 $0x9A00;
	s22 =	simm.s32 $0xA200;
	[dreg:$0x9] =	wrdreg s20  }
0x7: {  	s23 =	simm.s32 $0xAA00;
	s24 =	simm.s32 $0xB200;
	[dreg:$0xa] =	wrdreg s21  }
0x8: {  	s25 =	simm.s32 $0xBA00;
	s7 =	simm.s32 $0xD200;
	[dreg:$0xb] =	wrdreg s22  }
0x9: {  	s8 =	simm.s32 $0xDA00;
	s9 =	simm.s32 $0xE200;
	[dreg:$0xc] =	wrdreg s23  }
0xa: {  	s10 =	simm.s32 $0xEA00;
	s11 =	simm.s32 $0xF200;
	[dreg:$0xd] =	wrdreg s24  }
0xb: {  	s12 =	simm.s32 $0xFA00;
	s0 =	simm.s32 $0xC200;
	[dreg:$0xe] =	wrdreg s25  }
0xc: {  	s13 =	simm.s32 $0x10A00;
	s14 =	simm.s32 $0x11200;
	[dreg:$0xf] =	wrdreg s0  }
0xd: {  	s28 =	simm.s32 $0x4;
	s29 =	simm.s32 $0x2;
	[dreg:$0x11] =	wrdreg s7  }
0xe: {  	s30 =	simm.s32 $0x3;
	s31 =	simm.s32 $0x5;
	[dreg:$0x12] =	wrdreg s8  }
0xf: {  	s1 =	ssub.s32 $0x2, s1;
	s6 =	sshll.u32 s5, $0x6;
	[dreg:$0x13] =	wrdreg s9  }
0x10: {  	s5 =	sshll.u32 s5, $0xE;
	s26 =	sshrl.u32 s1, $0x1;
	[dreg:$0x14] =	wrdreg s10  }
0x11: {  	s6 =	sadd.s32 s6, s4;
	s4 =	sadd.s32 s5, s4;
	[dreg:$0x15] =	wrdreg s11  }
0x12: {  	s1 =	ssub.s32 s1, s26;
	s7 =	simm.s32 $0x200;
	[dreg:$0x16] =	wrdreg s12  }
0x13: {  	s8 =	simm.s32 $0xA00;
	s9 =	simm.s32 $0x1200;
	[dreg:$0x17] =	wrdreg s13  }
0x14: {  	s10 =	simm.s32 $0x1A00;
	[dreg:$0x18] =	wrdreg s14;
	s19 =	simm.s32 $0x13A00  }
0x15: {  	s11 =	simm.s32 $0x2200;
	s20 =	simm.s32 $0x14200;
	[dreg:$0x1d] =	wrdreg s19  }
0x16: {  	s12 =	simm.s32 $0x2A00;
	s21 =	simm.s32 $0x14A00;
	[dreg:$0x1e] =	wrdreg s20  }
0x17: {  	s13 =	simm.s32 $0x3200;
	s22 =	simm.s32 $0x15200;
	[dreg:$0x1f] =	wrdreg s21  }
0x18: {  	s14 =	simm.s32 $0x3A00;
	s23 =	simm.s32 $0x15A00;
	[smem:$0x7F9] =	sst s22  }
0x19: {  	s24 =	simm.s32 $0x16200;
	s25 =	simm.s32 $0x16A00;
	[smem:$0x7FA] =	sst s23  }
0x1a: {  	s26 =	simm.s32 $0x17200;
	s15 =	sadd.s32 $0x1400, s6;
	[smem:$0x7FB] =	sst s24  }
0x1b: {  	s16 =	sadd.s32 $0x1C00, s4;
	s17 =	sadd.s32 $0x2C00, s4;
	[smem:$0x7FC] =	sst s25  }
0x1c: {  	s18 =	sadd.s32 $0x3C00, s4;
	s4 =	sadd.s32 $0x4C00, s4;
	[smem:$0x7FD] =	sst s26  }
0x1d: {  	s6 =	simm.s32 $0xCA00;
	s5 =	smax.u32 s1, $0x1;
	[dreg:$0x3] =	wrdreg s15  }
0x1e: {  	s19 =	simm.s32 $0x6200;
	s20 =	simm.s32 $0x6A00;
	[dreg:$0x4] =	wrdreg s16  }
0x1f: {  	s21 =	simm.s32 $0x7200;
	s22 =	simm.s32 $0x7A00;
	[dreg:$0x5] =	wrdreg s17  }
0x20: {  	s23 =	simm.s32 $0x8200;
	s24 =	simm.s32 $0x10200;
	[dreg:$0x6] =	wrdreg s18  }
0x21: {  	s26 =	simm.s32 $0x1;
	s1 =	simm.s32 $0x6;
	[dreg:$0x7] =	wrdreg s4  }
0x22: {  	s4 =	sadd.s32 $0x100, s2;
	[dreg:$0x10] =	wrdreg s6;
	s15 =	simm.s32 $0x11A00  }
0x23: {  	s6 =	simm.s32 $0x7;
	s16 =	simm.s32 $0x12200;
	[dreg:$0x19] =	wrdreg s15  }
0x24: {  	v2 =	vlaneseq.u32;
	s17 =	simm.s32 $0x12A00;
	s18 =	simm.s32 $0x13200;
	[dreg:$0x1a] =	wrdreg s16  }
0x25: {  	vm0 =	vmmov $0xffff;
	v1 =	vshrl.u32 v2, $0x3;
	s15 =	simm.s32 $0x4200;
	[dreg:$0x1b] =	wrdreg s17;
	s16 =	simm.s32 $0x4A00  }
0x26: {  	v0 =	vand.u32 $0x7, v2;
	v2 =	vor.u32 $0x8, v2;
	v1 =	vmul.u32 $0x8, v1;
	[dreg:$0x1c] =	wrdreg s18;
	s17 =	simm.s32 $0x5200;
	s18 =	simm.s32 $0x5A00  }
.LBB2_1:
0x27: {  	s0 =	rddreg [dreg:$0x3]  }
0x28: {  	[tilespmem:s3], [sflag:$0x7] =	stream.linear.gather [hbm4b:s0+s3], $0x200, $0x38;
	[tilespmem:$0x18200] =	vst v63  }
0x29: {  	_ =	swait.ge [sflag:s6], $0x200  }
0x2a: {  	[sflag:s6] =	ssyncset.done $0x0  }
0x2b: {  	[sflag:s6] =	ssyncadd.s32 $0xFFFFFE00  }
0x2c: {  	v3 =	vld [tilespmem:$0x0];
	_ =	sdelay $0x4  }
0x2d: {  	v4 =	vshll.u32 v3, $0x2  }
0x2e: {  	v3 =	vand.u32 $0x7, v3;
	v4 =	vand.u32 $0xFFFFFFE0, v4  }
0x2f: {  	v3 =	vor.u32 v3, v4  }
0x30: {  	v4 =	vperm.xlane v3, v0;
	_ =	sdelay $0x1  }
0x31: {  	v4 =	vadd.s32 v1, v4;
	_ =	sdelay $0x1  }
0x32: {  	v3 =	vperm.xlane v3, v2;
	_ =	sdelay $0x1  }
0x33: {  	v3 =	vadd.s32 v1, v3  }
0x34: {  	[tilespmem:s7], [sflag:$0x1] =	stream.indirect_vreg.gather [hbm4b:s2+s3], $0x80, v4, vm0, $0xb8;
	[tilespmem:$0x18200] =	vst v63  }
0x35: {  	_ = 	snop  }
0x36: {  	[tilespmem:s8], [sflag:$0x1] =	stream.indirect_vreg.gather [hbm4b:s4+s3], $0x80, v4, vm0, $0xb8;
	[tilespmem:$0x18200] =	vst v63  }
0x37: {  	_ = 	snop  }
0x38: {  	[tilespmem:s9], [sflag:$0x1] =	stream.indirect_vreg.gather [hbm4b:s2+s3], $0x80, v3, vm0, $0xb8;
	[tilespmem:$0x18200] =	vst v63  }
0x39: {  	_ = 	snop  }
0x3a: {  	[tilespmem:s10], [sflag:$0x1] =	stream.indirect_vreg.gather [hbm4b:s4+s3], $0x80, v3, vm0, $0xb8;
	[tilespmem:$0x18200] =	vst v63  }
0x3b: {  	v3 =	vld [tilespmem:$0x10];
	_ =	sdelay $0x4  }
0x3c: {  	v49 =	vshll.u32 v3, $0x2  }
0x3d: {  	v3 =	vand.u32 $0x7, v3;
	v4 =	vand.u32 $0xFFFFFFE0, v49  }
0x3e: {  	v3 =	vor.u32 v3, v4  }
0x3f: {  	v4 =	vperm.xlane v3, v0;
	_ =	sdelay $0x1  }
0x40: {  	v4 =	vadd.s32 v1, v4;
	_ =	sdelay $0x1  }
0x41: {  	v3 =	vperm.xlane v3, v2;
	_ =	sdelay $0x1  }
0x42: {  	v3 =	vadd.s32 v1, v3  }
0x43: {  	[tilespmem:s11], [sflag:$0x1] =	stream.indirect_vreg.gather [hbm4b:s2+s3], $0x80, v4, vm0, $0xb8;
	[tilespmem:$0x18200] =	vst v63  }
0x44: {  	_ = 	snop  }
0x45: {  	[tilespmem:s12], [sflag:$0x1] =	stream.indirect_vreg.gather [hbm4b:s4+s3], $0x80, v4, vm0, $0xb8;
	[tilespmem:$0x18200] =	vst v63  }
0x46: {  	_ = 	snop  }
0x47: {  	[tilespmem:s13], [sflag:$0x1] =	stream.indirect_vreg.gather [hbm4b:s2+s3], $0x80, v3, vm0, $0xb8;
	[tilespmem:$0x18200] =	vst v63  }
0x48: {  	_ = 	snop  }
0x49: {  	[tilespmem:s14], [sflag:$0x1] =	stream.indirect_vreg.gather [hbm4b:s4+s3], $0x80, v3, vm0, $0xb8;
	[tilespmem:$0x18200] =	vst v63  }
0x4a: {  	v3 =	vld [tilespmem:$0x20];
	_ =	sdelay $0x4  }
0x4b: {  	v50 =	vshll.u32 v3, $0x2  }
0x4c: {  	v3 =	vand.u32 $0x7, v3;
	v4 =	vand.u32 $0xFFFFFFE0, v50  }
0x4d: {  	v3 =	vor.u32 v3, v4  }
0x4e: {  	v4 =	vperm.xlane v3, v0;
	_ =	sdelay $0x1  }
0x4f: {  	v4 =	vadd.s32 v1, v4;
	_ =	sdelay $0x1  }
0x50: {  	v3 =	vperm.xlane v3, v2;
	_ =	sdelay $0x1  }
0x51: {  	v3 =	vadd.s32 v1, v3  }
0x52: {  	[tilespmem:s15], [sflag:$0x1] =	stream.indirect_vreg.gather [hbm4b:s2+s3], $0x80, v4, vm0, $0xb8;
	[tilespmem:$0x18200] =	vst v63  }
0x53: {  	_ = 	snop  }
0x54: {  	[tilespmem:s16], [sflag:$0x1] =	stream.indirect_vreg.gather [hbm4b:s4+s3], $0x80, v4, vm0, $0xb8;
	[tilespmem:$0x18200] =	vst v63  }
0x55: {  	_ = 	snop  }
0x56: {  	[tilespmem:s17], [sflag:$0x1] =	stream.indirect_vreg.gather [hbm4b:s2+s3], $0x80, v3, vm0, $0xb8;
	[tilespmem:$0x18200] =	vst v63  }
0x57: {  	_ = 	snop  }
0x58: {  	[tilespmem:s18], [sflag:$0x1] =	stream.indirect_vreg.gather [hbm4b:s4+s3], $0x80, v3, vm0, $0xb8;
	[tilespmem:$0x18200] =	vst v63  }
0x59: {  	v3 =	vld [tilespmem:$0x30];
	_ =	sdelay $0x4  }
0x5a: {  	v51 =	vshll.u32 v3, $0x2  }
0x5b: {  	v3 =	vand.u32 $0x7, v3;
	v4 =	vand.u32 $0xFFFFFFE0, v51  }
0x5c: {  	v3 =	vor.u32 v3, v4  }
0x5d: {  	v4 =	vperm.xlane v3, v0;
	_ =	sdelay $0x1  }
0x5e: {  	v4 =	vadd.s32 v1, v4;
	_ =	sdelay $0x1  }
0x5f: {  	v3 =	vperm.xlane v3, v2;
	_ =	sdelay $0x1  }
0x60: {  	v3 =	vadd.s32 v1, v3  }
0x61: {  	[tilespmem:s19], [sflag:$0x1] =	stream.indirect_vreg.gather [hbm4b:s2+s3], $0x80, v4, vm0, $0xb8;
	[tilespmem:$0x18200] =	vst v63  }
0x62: {  	_ = 	snop  }
0x63: {  	[tilespmem:s20], [sflag:$0x1] =	stream.indirect_vreg.gather [hbm4b:s4+s3], $0x80, v4, vm0, $0xb8;
	[tilespmem:$0x18200] =	vst v63  }
0x64: {  	_ = 	snop  }
0x65: {  	[tilespmem:s21], [sflag:$0x1] =	stream.indirect_vreg.gather [hbm4b:s2+s3], $0x80, v3, vm0, $0xb8;
	[tilespmem:$0x18200] =	vst v63  }
0x66: {  	_ = 	snop  }
0x67: {  	[tilespmem:s22], [sflag:$0x1] =	stream.indirect_vreg.gather [hbm4b:s4+s3], $0x80, v3, vm0, $0xb8;
	[tilespmem:$0x18200] =	vst v63  }
0x68: {  	v3 =	vld [tilespmem:$0x80];
	_ =	sdelay $0x4  }
0x69: {  	v52 =	vshll.u32 v3, $0x2  }
0x6a: {  	v3 =	vand.u32 $0x7, v3;
	v4 =	vand.u32 $0xFFFFFFE0, v52  }
0x6b: {  	v3 =	vor.u32 v3, v4  }
0x6c: {  	v4 =	vperm.xlane v3, v0;
	_ =	sdelay $0x1  }
0x6d: {  	v4 =	vadd.s32 v1, v4;
	_ =	sdelay $0x1  }
0x6e: {  	v3 =	vperm.xlane v3, v2;
	_ =	sdelay $0x1  }
0x6f: {  	v3 =	vadd.s32 v1, v3  }
0x70: {  	[tilespmem:s23], [sflag:$0x2] =	stream.indirect_vreg.gather [hbm4b:s2+s3], $0x80, v4, vm0, $0xb8;
	[tilespmem:$0x18200] =	vst v63  }
0x71: {  	s0 =	rddreg [dreg:$0x8]  }
0x72: {  	[tilespmem:s0], [sflag:$0x2] =	stream.indirect_vreg.gather [hbm4b:s4+s3], $0x80, v4, vm0, $0xb8;
	[tilespmem:$0x18200] =	vst v63  }
0x73: {  	s25 =	rddreg [dreg:$0x9]  }
0x74: {  	[tilespmem:s25], [sflag:$0x2] =	stream.indirect_vreg.gather [hbm4b:s2+s3], $0x80, v3, vm0, $0xb8;
	[tilespmem:$0x18200] =	vst v63  }
0x75: {  	s0 =	rddreg [dreg:$0xa]  }
0x76: {  	[tilespmem:s0], [sflag:$0x2] =	stream.indirect_vreg.gather [hbm4b:s4+s3], $0x80, v3, vm0, $0xb8;
	[tilespmem:$0x18200] =	vst v63  }
0x77: {  	v3 =	vld [tilespmem:$0x90];
	_ =	sdelay $0x4  }
0x78: {  	v53 =	vshll.u32 v3, $0x2  }
0x79: {  	v3 =	vand.u32 $0x7, v3;
	v4 =	vand.u32 $0xFFFFFFE0, v53  }
0x7a: {  	v3 =	vor.u32 v3, v4  }
0x7b: {  	v4 =	vperm.xlane v3, v0;
	_ =	sdelay $0x1  }
0x7c: {  	v4 =	vadd.s32 v1, v4;
	_ =	sdelay $0x1  }
0x7d: {  	v3 =	vperm.xlane v3, v2;
	_ =	sdelay $0x1  }
0x7e: {  	s0 =	rddreg [dreg:$0xb];
	v3 =	vadd.s32 v1, v3  }
0x7f: {  	[tilespmem:s0], [sflag:$0x2] =	stream.indirect_vreg.gather [hbm4b:s2+s3], $0x80, v4, vm0, $0xb8;
	[tilespmem:$0x18200] =	vst v63  }
0x80: {  	s25 =	rddreg [dreg:$0xc]  }
0x81: {  	[tilespmem:s25], [sflag:$0x2] =	stream.indirect_vreg.gather [hbm4b:s4+s3], $0x80, v4, vm0, $0xb8;
	[tilespmem:$0x18200] =	vst v63  }
0x82: {  	s0 =	rddreg [dreg:$0xd]  }
0x83: {  	[tilespmem:s0], [sflag:$0x2] =	stream.indirect_vreg.gather [hbm4b:s2+s3], $0x80, v3, vm0, $0xb8;
	[tilespmem:$0x18200] =	vst v63  }
0x84: {  	s25 =	rddreg [dreg:$0xe]  }
0x85: {  	[tilespmem:s25], [sflag:$0x2] =	stream.indirect_vreg.gather [hbm4b:s4+s3], $0x80, v3, vm0, $0xb8;
	[tilespmem:$0x18200] =	vst v63  }
0x86: {  	v3 =	vld [tilespmem:$0xA0];
	_ =	sdelay $0x4  }
0x87: {  	v54 =	vshll.u32 v3, $0x2  }
0x88: {  	v3 =	vand.u32 $0x7, v3;
	v4 =	vand.u32 $0xFFFFFFE0, v54  }
0x89: {  	v3 =	vor.u32 v3, v4  }
0x8a: {  	v4 =	vperm.xlane v3, v0;
	_ =	sdelay $0x1  }
0x8b: {  	v4 =	vadd.s32 v1, v4;
	_ =	sdelay $0x1  }
0x8c: {  	v3 =	vperm.xlane v3, v2;
	_ =	sdelay $0x1  }
0x8d: {  	s0 =	rddreg [dreg:$0xf];
	v3 =	vadd.s32 v1, v3  }
0x8e: {  	[tilespmem:s0], [sflag:$0x2] =	stream.indirect_vreg.gather [hbm4b:s2+s3], $0x80, v4, vm0, $0xb8;
	[tilespmem:$0x18200] =	vst v63  }
0x8f: {  	s25 =	rddreg [dreg:$0x10]  }
0x90: {  	[tilespmem:s25], [sflag:$0x2] =	stream.indirect_vreg.gather [hbm4b:s4+s3], $0x80, v4, vm0, $0xb8;
	[tilespmem:$0x18200] =	vst v63  }
0x91: {  	s0 =	rddreg [dreg:$0x11]  }
0x92: {  	[tilespmem:s0], [sflag:$0x2] =	stream.indirect_vreg.gather [hbm4b:s2+s3], $0x80, v3, vm0, $0xb8;
	[tilespmem:$0x18200] =	vst v63  }
0x93: {  	s25 =	rddreg [dreg:$0x12]  }
0x94: {  	[tilespmem:s25], [sflag:$0x2] =	stream.indirect_vreg.gather [hbm4b:s4+s3], $0x80, v3, vm0, $0xb8;
	[tilespmem:$0x18200] =	vst v63  }
0x95: {  	v3 =	vld [tilespmem:$0xB0];
	_ =	sdelay $0x4  }
0x96: {  	v55 =	vshll.u32 v3, $0x2  }
0x97: {  	v3 =	vand.u32 $0x7, v3;
	v4 =	vand.u32 $0xFFFFFFE0, v55  }
0x98: {  	v3 =	vor.u32 v3, v4  }
0x99: {  	v4 =	vperm.xlane v3, v0;
	_ =	sdelay $0x1  }
0x9a: {  	v4 =	vadd.s32 v1, v4;
	_ =	sdelay $0x1  }
0x9b: {  	v3 =	vperm.xlane v3, v2;
	_ =	sdelay $0x1  }
0x9c: {  	s0 =	rddreg [dreg:$0x13];
	v3 =	vadd.s32 v1, v3  }
0x9d: {  	[tilespmem:s0], [sflag:$0x2] =	stream.indirect_vreg.gather [hbm4b:s2+s3], $0x80, v4, vm0, $0xb8;
	[tilespmem:$0x18200] =	vst v63  }
0x9e: {  	s25 =	rddreg [dreg:$0x14]  }
0x9f: {  	[tilespmem:s25], [sflag:$0x2] =	stream.indirect_vreg.gather [hbm4b:s4+s3], $0x80, v4, vm0, $0xb8;
	[tilespmem:$0x18200] =	vst v63  }
0xa0: {  	s0 =	rddreg [dreg:$0x15]  }
0xa1: {  	[tilespmem:s0], [sflag:$0x2] =	stream.indirect_vreg.gather [hbm4b:s2+s3], $0x80, v3, vm0, $0xb8;
	[tilespmem:$0x18200] =	vst v63  }
0xa2: {  	s25 =	rddreg [dreg:$0x16]  }
0xa3: {  	[tilespmem:s25], [sflag:$0x2] =	stream.indirect_vreg.gather [hbm4b:s4+s3], $0x80, v3, vm0, $0xb8;
	[tilespmem:$0x18200] =	vst v63  }
0xa4: {  	v3 =	vld [tilespmem:$0x100];
	_ =	sdelay $0x4  }
0xa5: {  	v56 =	vshll.u32 v3, $0x2  }
0xa6: {  	v3 =	vand.u32 $0x7, v3;
	v4 =	vand.u32 $0xFFFFFFE0, v56  }
0xa7: {  	v3 =	vor.u32 v3, v4  }
0xa8: {  	v4 =	vperm.xlane v3, v0;
	_ =	sdelay $0x1  }
0xa9: {  	v4 =	vadd.s32 v1, v4;
	_ =	sdelay $0x1  }
0xaa: {  	v3 =	vperm.xlane v3, v2;
	_ =	sdelay $0x1  }
0xab: {  	v3 =	vadd.s32 v1, v3  }
0xac: {  	[tilespmem:s24], [sflag:$0x3] =	stream.indirect_vreg.gather [hbm4b:s2+s3], $0x80, v4, vm0, $0xb8;
	[tilespmem:$0x18200] =	vst v63  }
0xad: {  	s0 =	rddreg [dreg:$0x17]  }
0xae: {  	[tilespmem:s0], [sflag:$0x3] =	stream.indirect_vreg.gather [hbm4b:s4+s3], $0x80, v4, vm0, $0xb8;
	[tilespmem:$0x18200] =	vst v63  }
0xaf: {  	s25 =	rddreg [dreg:$0x18]  }
0xb0: {  	[tilespmem:s25], [sflag:$0x3] =	stream.indirect_vreg.gather [hbm4b:s2+s3], $0x80, v3, vm0, $0xb8;
	[tilespmem:$0x18200] =	vst v63  }
0xb1: {  	s0 =	rddreg [dreg:$0x19]  }
0xb2: {  	[tilespmem:s0], [sflag:$0x3] =	stream.indirect_vreg.gather [hbm4b:s4+s3], $0x80, v3, vm0, $0xb8;
	[tilespmem:$0x18200] =	vst v63  }
0xb3: {  	v3 =	vld [tilespmem:$0x110];
	_ =	sdelay $0x4  }
0xb4: {  	v57 =	vshll.u32 v3, $0x2  }
0xb5: {  	v3 =	vand.u32 $0x7, v3;
	v4 =	vand.u32 $0xFFFFFFE0, v57  }
0xb6: {  	v3 =	vor.u32 v3, v4  }
0xb7: {  	v4 =	vperm.xlane v3, v0;
	_ =	sdelay $0x1  }
0xb8: {  	v4 =	vadd.s32 v1, v4;
	_ =	sdelay $0x1  }
0xb9: {  	v3 =	vperm.xlane v3, v2;
	_ =	sdelay $0x1  }
0xba: {  	s0 =	rddreg [dreg:$0x1a];
	v3 =	vadd.s32 v1, v3  }
0xbb: {  	[tilespmem:s0], [sflag:$0x3] =	stream.indirect_vreg.gather [hbm4b:s2+s3], $0x80, v4, vm0, $0xb8;
	[tilespmem:$0x18200] =	vst v63  }
0xbc: {  	s25 =	rddreg [dreg:$0x1b]  }
0xbd: {  	[tilespmem:s25], [sflag:$0x3] =	stream.indirect_vreg.gather [hbm4b:s4+s3], $0x80, v4, vm0, $0xb8;
	[tilespmem:$0x18200] =	vst v63  }
0xbe: {  	s0 =	rddreg [dreg:$0x1c]  }
0xbf: {  	[tilespmem:s0], [sflag:$0x3] =	stream.indirect_vreg.gather [hbm4b:s2+s3], $0x80, v3, vm0, $0xb8;
	[tilespmem:$0x18200] =	vst v63  }
0xc0: {  	s25 =	rddreg [dreg:$0x1d]  }
0xc1: {  	[tilespmem:s25], [sflag:$0x3] =	stream.indirect_vreg.gather [hbm4b:s4+s3], $0x80, v3, vm0, $0xb8;
	[tilespmem:$0x18200] =	vst v63  }
0xc2: {  	v3 =	vld [tilespmem:$0x120];
	_ =	sdelay $0x4  }
0xc3: {  	v58 =	vshll.u32 v3, $0x2  }
0xc4: {  	v3 =	vand.u32 $0x7, v3;
	v4 =	vand.u32 $0xFFFFFFE0, v58  }
0xc5: {  	v3 =	vor.u32 v3, v4  }
0xc6: {  	v4 =	vperm.xlane v3, v0;
	_ =	sdelay $0x1  }
0xc7: {  	v4 =	vadd.s32 v1, v4;
	_ =	sdelay $0x1  }
0xc8: {  	v3 =	vperm.xlane v3, v2  }
0xc9: {  	s0 =	rddreg [dreg:$0x1e]  }
0xca: {  	s25 =	rddreg [dreg:$0x1f];
	v3 =	vadd.s32 v1, v3  }
0xcb: {  	[tilespmem:s0], [sflag:$0x3] =	stream.indirect_vreg.gather [hbm4b:s2+s3], $0x80, v4, vm0, $0xb8;
	[tilespmem:$0x18200] =	vst v63  }
0xcc: {  	s0 =	sld [smem:$0x7F9]  }
0xcd: {  	[tilespmem:s25], [sflag:$0x3] =	stream.indirect_vreg.gather [hbm4b:s4+s3], $0x80, v4, vm0, $0xb8;
	[tilespmem:$0x18200] =	vst v63  }
0xce: {  	s25 =	sld [smem:$0x7FA]  }
0xcf: {  	[tilespmem:s0], [sflag:$0x3] =	stream.indirect_vreg.gather [hbm4b:s2+s3], $0x80, v3, vm0, $0xb8;
	[tilespmem:$0x18200] =	vst v63  }
0xd0: {  	_ = 	snop  }
0xd1: {  	[tilespmem:s25], [sflag:$0x3] =	stream.indirect_vreg.gather [hbm4b:s4+s3], $0x80, v3, vm0, $0xb8;
	[tilespmem:$0x18200] =	vst v63  }
0xd2: {  	v3 =	vld [tilespmem:$0x130];
	_ =	sdelay $0x4  }
0xd3: {  	v59 =	vshll.u32 v3, $0x2  }
0xd4: {  	v3 =	vand.u32 $0x7, v3;
	v4 =	vand.u32 $0xFFFFFFE0, v59  }
0xd5: {  	v3 =	vor.u32 v3, v4  }
0xd6: {  	v4 =	vperm.xlane v3, v0;
	_ =	sdelay $0x1  }
0xd7: {  	v4 =	vadd.s32 v1, v4;
	_ =	sdelay $0x1  }
0xd8: {  	s0 =	sld [smem:$0x7FB];
	v3 =	vperm.xlane v3, v2;
	_ =	sdelay $0x1  }
0xd9: {  	s25 =	sld [smem:$0x7FC];
	v3 =	vadd.s32 v1, v3  }
0xda: {  	[tilespmem:s0], [sflag:$0x3] =	stream.indirect_vreg.gather [hbm4b:s2+s3], $0x80, v4, vm0, $0xb8;
	[tilespmem:$0x18200] =	vst v63  }
0xdb: {  	s0 =	sld [smem:$0x7FD]  }
0xdc: {  	[tilespmem:s25], [sflag:$0x3] =	stream.indirect_vreg.gather [hbm4b:s4+s3], $0x80, v4, vm0, $0xb8;
	[tilespmem:$0x18200] =	vst v63  }
0xdd: {  	_ = 	snop  }
0xde: {  	[tilespmem:s0], [sflag:$0x3] =	stream.indirect_vreg.gather [hbm4b:s2+s3], $0x80, v3, vm0, $0xb8;
	[tilespmem:$0x18200] =	vst v63  }
0xdf: {  	s25 =	simm.s32 $0x17A00  }
0xe0: {  	[tilespmem:s25], [sflag:$0x3] =	stream.indirect_vreg.gather [hbm4b:s4+s3], $0x80, v3, vm0, $0xb8;
	[tilespmem:$0x18200] =	vst v63  }
0xe1: {  	_ =	swait.ge [sflag:s26], $0x8000  }
0xe2: {  	[sflag:s26] =	ssyncset.done $0x0  }
0xe3: {  	s25 =	rddreg [dreg:$0x4];
	[sflag:s26] =	ssyncadd.s32 $0xFFFF8000  }
0xe4: {  	[hbm4b:s25+s3] =	stream.linear.scatter [tilespmem:s7], [sflag:$0x4], $0x8000, $0x38;
	[tilespmem:$0x18200] =	vst v63  }
0xe5: {  	_ =	swait.ge [sflag:s28], $0x8000  }
0xe6: {  	[sflag:s28] =	ssyncset.done $0x0  }
0xe7: {  	[sflag:s28] =	ssyncadd.s32 $0xFFFF8000  }
0xe8: {  	v3 =	vld [tilespmem:$0x180];
	_ =	sdelay $0x4  }
0xe9: {  	v60 =	vshll.u32 v3, $0x2  }
0xea: {  	v3 =	vand.u32 $0x7, v3;
	v4 =	vand.u32 $0xFFFFFFE0, v60  }
0xeb: {  	v3 =	vor.u32 v3, v4  }
0xec: {  	v4 =	vperm.xlane v3, v0;
	_ =	sdelay $0x1  }
0xed: {  	v4 =	vadd.s32 v1, v4;
	_ =	sdelay $0x1  }
0xee: {  	v3 =	vperm.xlane v3, v2;
	_ =	sdelay $0x1  }
0xef: {  	v3 =	vadd.s32 v1, v3  }
0xf0: {  	[tilespmem:s7], [sflag:$0x1] =	stream.indirect_vreg.gather [hbm4b:s2+s3], $0x80, v4, vm0, $0xb8;
	[tilespmem:$0x18200] =	vst v63  }
0xf1: {  	_ = 	snop  }
0xf2: {  	[tilespmem:s8], [sflag:$0x1] =	stream.indirect_vreg.gather [hbm4b:s4+s3], $0x80, v4, vm0, $0xb8;
	[tilespmem:$0x18200] =	vst v63  }
0xf3: {  	_ = 	snop  }
0xf4: {  	[tilespmem:s9], [sflag:$0x1] =	stream.indirect_vreg.gather [hbm4b:s2+s3], $0x80, v3, vm0, $0xb8;
	[tilespmem:$0x18200] =	vst v63  }
0xf5: {  	_ = 	snop  }
0xf6: {  	[tilespmem:s10], [sflag:$0x1] =	stream.indirect_vreg.gather [hbm4b:s4+s3], $0x80, v3, vm0, $0xb8;
	[tilespmem:$0x18200] =	vst v63  }
0xf7: {  	v3 =	vld [tilespmem:$0x190];
	_ =	sdelay $0x4  }
0xf8: {  	v61 =	vshll.u32 v3, $0x2  }
0xf9: {  	v3 =	vand.u32 $0x7, v3;
	v4 =	vand.u32 $0xFFFFFFE0, v61  }
0xfa: {  	v3 =	vor.u32 v3, v4  }
0xfb: {  	v4 =	vperm.xlane v3, v0;
	_ =	sdelay $0x1  }
0xfc: {  	v4 =	vadd.s32 v1, v4;
	_ =	sdelay $0x1  }
0xfd: {  	v3 =	vperm.xlane v3, v2;
	_ =	sdelay $0x1  }
0xfe: {  	v3 =	vadd.s32 v1, v3  }
0xff: {  	[tilespmem:s11], [sflag:$0x1] =	stream.indirect_vreg.gather [hbm4b:s2+s3], $0x80, v4, vm0, $0xb8;
	[tilespmem:$0x18200] =	vst v63  }
0x100: {  	_ = 	snop  }
0x101: {  	[tilespmem:s12], [sflag:$0x1] =	stream.indirect_vreg.gather [hbm4b:s4+s3], $0x80, v4, vm0, $0xb8;
	[tilespmem:$0x18200] =	vst v63  }
0x102: {  	_ = 	snop  }
0x103: {  	[tilespmem:s13], [sflag:$0x1] =	stream.indirect_vreg.gather [hbm4b:s2+s3], $0x80, v3, vm0, $0xb8;
	[tilespmem:$0x18200] =	vst v63  }
0x104: {  	_ = 	snop  }
0x105: {  	[tilespmem:s14], [sflag:$0x1] =	stream.indirect_vreg.gather [hbm4b:s4+s3], $0x80, v3, vm0, $0xb8;
	[tilespmem:$0x18200] =	vst v63  }
0x106: {  	v3 =	vld [tilespmem:$0x1A0];
	_ =	sdelay $0x4  }
0x107: {  	v62 =	vshll.u32 v3, $0x2  }
0x108: {  	v3 =	vand.u32 $0x7, v3;
	v4 =	vand.u32 $0xFFFFFFE0, v62  }
0x109: {  	v3 =	vor.u32 v3, v4  }
0x10a: {  	v4 =	vperm.xlane v3, v0;
	_ =	sdelay $0x1  }
0x10b: {  	v4 =	vadd.s32 v1, v4;
	_ =	sdelay $0x1  }
0x10c: {  	v3 =	vperm.xlane v3, v2;
	_ =	sdelay $0x1  }
0x10d: {  	v3 =	vadd.s32 v1, v3  }
0x10e: {  	[tilespmem:s15], [sflag:$0x1] =	stream.indirect_vreg.gather [hbm4b:s2+s3], $0x80, v4, vm0, $0xb8;
	[tilespmem:$0x18200] =	vst v63  }
0x10f: {  	_ = 	snop  }
0x110: {  	[tilespmem:s16], [sflag:$0x1] =	stream.indirect_vreg.gather [hbm4b:s4+s3], $0x80, v4, vm0, $0xb8;
	[tilespmem:$0x18200] =	vst v63  }
0x111: {  	_ = 	snop  }
0x112: {  	[tilespmem:s17], [sflag:$0x1] =	stream.indirect_vreg.gather [hbm4b:s2+s3], $0x80, v3, vm0, $0xb8;
	[tilespmem:$0x18200] =	vst v63  }
0x113: {  	_ = 	snop  }
0x114: {  	[tilespmem:s18], [sflag:$0x1] =	stream.indirect_vreg.gather [hbm4b:s4+s3], $0x80, v3, vm0, $0xb8;
	[tilespmem:$0x18200] =	vst v63  }
0x115: {  	v3 =	vld [tilespmem:$0x1B0];
	_ =	sdelay $0x4  }
0x116: {  	v63 =	vshll.u32 v3, $0x2  }
0x117: {  	v3 =	vand.u32 $0x7, v3;
	v4 =	vand.u32 $0xFFFFFFE0, v63  }
0x118: {  	v3 =	vor.u32 v3, v4  }
0x119: {  	v4 =	vperm.xlane v3, v0;
	_ =	sdelay $0x1  }
0x11a: {  	v4 =	vadd.s32 v1, v4;
	_ =	sdelay $0x1  }
0x11b: {  	v3 =	vperm.xlane v3, v2;
	_ =	sdelay $0x1  }
0x11c: {  	v3 =	vadd.s32 v1, v3  }
0x11d: {  	[tilespmem:s19], [sflag:$0x1] =	stream.indirect_vreg.gather [hbm4b:s2+s3], $0x80, v4, vm0, $0xb8;
	[tilespmem:$0x18200] =	vst v63  }
0x11e: {  	_ = 	snop  }
0x11f: {  	[tilespmem:s20], [sflag:$0x1] =	stream.indirect_vreg.gather [hbm4b:s4+s3], $0x80, v4, vm0, $0xb8;
	[tilespmem:$0x18200] =	vst v63  }
0x120: {  	_ = 	snop  }
0x121: {  	[tilespmem:s21], [sflag:$0x1] =	stream.indirect_vreg.gather [hbm4b:s2+s3], $0x80, v3, vm0, $0xb8;
	[tilespmem:$0x18200] =	vst v63  }
0x122: {  	_ = 	snop  }
0x123: {  	[tilespmem:s22], [sflag:$0x1] =	stream.indirect_vreg.gather [hbm4b:s4+s3], $0x80, v3, vm0, $0xb8;
	[tilespmem:$0x18200] =	vst v63  }
0x124: {  	_ =	swait.ge [sflag:s29], $0x8000  }
0x125: {  	[sflag:s29] =	ssyncset.done $0x0  }
0x126: {  	s25 =	rddreg [dreg:$0x5];
	[sflag:s29] =	ssyncadd.s32 $0xFFFF8000  }
0x127: {  	[hbm4b:s25+s3] =	stream.linear.scatter [tilespmem:s23], [sflag:$0x5], $0x8000, $0x38;
	[tilespmem:$0x18200] =	vst v63  }
0x128: {  	_ =	swait.ge [sflag:s30], $0x8000  }
0x129: {  	[sflag:s30] =	ssyncset.done $0x0  }
0x12a: {  	s25 =	rddreg [dreg:$0x6];
	[sflag:s30] =	ssyncadd.s32 $0xFFFF8000  }
0x12b: {  	[hbm4b:s25+s3] =	stream.linear.scatter [tilespmem:s24], [sflag:$0x6], $0x8000, $0x38;
	[tilespmem:$0x18200] =	vst v63  }
0x12c: {  	_ =	swait.ge [sflag:s26], $0x8000  }
0x12d: {  	[sflag:s26] =	ssyncset.done $0x0  }
0x12e: {  	s25 =	rddreg [dreg:$0x7];
	[sflag:s26] =	ssyncadd.s32 $0xFFFF8000  }
0x12f: {  	[hbm4b:s25+s3] =	stream.linear.scatter [tilespmem:s7], [sflag:$0x4], $0x8000, $0x38;
	[tilespmem:$0x18200] =	vst v63  }
0x130: {  	_ =	swait.ge [sflag:s28], $0x8000  }
0x131: {  	[sflag:s28] =	ssyncset.done $0x0  }
0x132: {  	[sflag:s28] =	ssyncadd.s32 $0xFFFF8000  }
0x133: {  	p0 =	sne.s32 s5, $0x1;
	_ =	swait.ge [sflag:s31], $0x8000  }
.Ltmp0:
0x134: {  	[sflag:s31] =	ssyncset.done $0x0;
	(pc) =	sbr.rel @p0 .LBB2_1-.Ltmp0, $4  }
0x135: {  	[sflag:s31] =	ssyncadd.s32 $0xFFFF8000  }
0x136: {  	_ =	swait.ge [sflag:s1], $0x8000  }
0x137: {  	[sflag:s1] =	ssyncset.done $0x0  }
0x138: {  	s5 =	sadd.s32 $0xFFFFFFFF, s5;
	[sflag:s1] =	ssyncadd.s32 $0xFFFF8000  }
0x139: {  	_ =	sfence.sel $0x180000  }
0x13a: {  	[bflag:$0x0] =	sbarrier.arrive $0xFFFF  }
0x13b: {  	_ =	strace $0x90000047  }
0x13c: {  	s0 =	stileid.u32;
	[bflag:$0x2] =	sbarrier.arrive $0xFFFF  }
0x13d: {  	p0 =	sne.s32 s0, $0x0;
	s0 =	rddreg [dreg:$0x2]  }
0x13e: {  	s0 =	sadd.s32 @!p0 $0x100000, s0  }
0x13f: {  	[sflag:s0] =	ssyncadd.tile.s32 @!p0 $0x1;
	_ =	shalt  }
.Lfunc_end2:
_tile_overlayer_lowered:
.L_overlay_start_2:
0x140: {  	(tag) =	ssettag $0x2  }
0x141: {  	s0 =	rddreg [dreg:$0x0];
	s2 =	stileid.u32  }
0x142: {  	s1 =	rddreg [dreg:$0x1];
	p0 =	sne.s32 s2, $0x0  }
0x143: {  	s3 =	rddreg [dreg:$0x2];
	[bflag:$0x3] =	sbarrier.arrive $0xFFFF;
	s2 =	simm.s32 @!p0 $0x1C07  }
0x144: {  	[timem:s3], [sflag:s2] =	dma.local @!p0 [hbm:s0], s1  }
0x145: {  	s0 =	simm.s32 @!p0 $0x7  }
0x146: {  	_ =	swait.ge @!p0 [sflag:s0], s1  }
0x147: {  	s1 =	ssub.s32 @!p0 $0x0, s1;
	[sflag:s0] =	ssyncset.done @!p0 $0x0  }
0x148: {  	[sflag:s0] =	ssyncadd.s32 @!p0 s1  }
0x149: {  	[bflag:$0x3] =	sbarrier.arrive $0xFFFF  }
0x14a: {  	_ =	shalt  }

</sc_bundles>
